<compile_context>
chip_gen: v7x
topology: tpu7x:2x2x1
jax: 0.10.2.dev20260603
libtpu: 0.0.44.dev20260713+nightly
codegen_flags: <defaults>
</compile_context>

<pallas_src>
import functools

import jax
import jax.numpy as jnp
from jax import lax
from jax.experimental import pallas as pl
from jax.experimental.pallas import tpu as pltpu
from jax.experimental.pallas import tpu_sc as plsc

_H = 112
_W = 112
_NW = 32
_N_IMG = 1536 // _NW


def _sc_body(x_hbm, out_hbm, inbuf0, inbuf1, obuf0, obuf1,
             sem_in0, sem_in1, sem_out0, sem_out1):
    inbufs = (inbuf0, inbuf1)
    obufs = (obuf0, obuf1)
    sem_ins = (sem_in0, sem_in1)
    sem_outs = (sem_out0, sem_out1)

    wid = lax.axis_index("s") * 2 + lax.axis_index("c")
    base_img = wid * _N_IMG
    lane2 = 2 * lax.broadcasted_iota(jnp.int32, (16,), 0)
    zeros16 = jnp.zeros((16,), jnp.float32)

    def zero_body(i, carry):
        def zcol(j, c2):
            obuf0[i, pl.ds(j * 16, 16)] = zeros16
            obuf1[i, pl.ds(j * 16, 16)] = zeros16
            return c2
        return lax.fori_loop(0, 2 * _W // 16, zcol, carry)

    lax.fori_loop(0, _H, zero_body, 0)

    pltpu.async_copy(x_hbm.at[base_img], inbuf0, sem_in0)
    pltpu.async_copy(x_hbm.at[base_img + 1], inbuf1, sem_in1)

    def scatter_half(ibuf, obuf, c2):
        def row_body(hl, c):
            ohvec = jnp.full((16,), 2 * hl + 1, jnp.int32)
            for j in range(_W // 16):
                v = ibuf[56 * c2 + hl, pl.ds(j * 16, 16)]
                owvec = (32 * j + 1) + lane2
                plsc.store_scatter(obuf, [ohvec, owvec], v)
            return c
        lax.fori_loop(0, _H // 2, row_body, 0)

    def outer(t, carry):
        tb_sel = t % 2
        img = base_img + t
        for tb in range(2):
            @pl.when(tb_sel == tb)
            def _():
                pltpu.make_async_copy(
                    x_hbm.at[img], inbufs[tb], sem_ins[tb]).wait()
                for c2 in range(2):
                    @pl.when(t > 0)
                    def _():
                        pltpu.make_async_copy(
                            obufs[c2],
                            out_hbm.at[img, pl.ds(_H * c2, _H)],
                            sem_outs[c2]).wait()
                    scatter_half(inbufs[tb], obufs[c2], c2)
                    pltpu.async_copy(
                        obufs[c2],
                        out_hbm.at[img, pl.ds(_H * c2, _H)],
                        sem_outs[c2])
                @pl.when(t + 2 < _N_IMG)
                def _():
                    pltpu.async_copy(
                        x_hbm.at[img + 2], inbufs[tb], sem_ins[tb])
        return carry

    lax.fori_loop(0, _N_IMG, outer, 0)

    last = base_img + _N_IMG - 1
    pltpu.make_async_copy(
        obuf0, out_hbm.at[last, pl.ds(0, _H)], sem_out0).wait()
    pltpu.make_async_copy(
        obuf1, out_hbm.at[last, pl.ds(_H, _H)], sem_out1).wait()


def kernel(x):
    B, I, C, H, W = x.shape
    n = B * I * C
    xf = x.reshape(n, H, W)
    mesh = plsc.VectorSubcoreMesh(core_axis_name="c", subcore_axis_name="s")
    out = pl.kernel(
        _sc_body,
        out_type=jax.ShapeDtypeStruct((n, 2 * H, 2 * W), jnp.float32),
        mesh=mesh,
        scratch_types=[
            pltpu.VMEM((H, W), jnp.float32),
            pltpu.VMEM((H, W), jnp.float32),
            pltpu.VMEM((H, 2 * W), jnp.float32),
            pltpu.VMEM((H, 2 * W), jnp.float32),
            pltpu.SemaphoreType.DMA,
            pltpu.SemaphoreType.DMA,
            pltpu.SemaphoreType.DMA,
            pltpu.SemaphoreType.DMA,
        ],
        compiler_params=pltpu.CompilerParams(
            needs_layout_passes=False,
            use_tc_tiling_on_sc=True,
        ),
    )(xf)
    return out.reshape(B, I, C, 2 * H, 2 * W)

# --- scband reference (transcript-rebuilt; emitter-appended) ---
"""Pipeline reference for scband-zero-upsample-18416819765331 (READ-ONLY COPY).

The authoritative reference and input builder live on the scoring server;
editing this copy changes nothing except your own understanding.
"""

import jax, jax.numpy as jnp
import numpy as np

SCALE_FACTOR = 2


def setup_inputs(seed: int = 0) -> dict:
    key = jax.random.key(seed)
    x = jax.random.normal(key, (4, 4, 96, 112, 112), dtype=jnp.float32)
    return {"x": x}


def reference(x):
    B, I, C, H, W = x.shape
    s = SCALE_FACTOR
    offset = s // 2
    output_h, output_w = H * s, W * s
    indices_h = jnp.arange(offset, output_h + offset, s)
    indices_w = jnp.arange(offset, output_w + offset, s)
    output = jnp.zeros((B, I, C, output_h, output_w), dtype=x.dtype)
    # scatter-overwrite: output[:, :, :, grid_h, grid_w] = x
    output = output.at[:, :, :, indices_h[:, None], indices_w[None, :]].set(x)
    return output

if __name__ == "__main__":
    import jax
    _d = setup_inputs()
    print(jax.jit(kernel)(*tuple(_d.values())))

</pallas_src>

<mosaic_0001>
#map = affine_map<(d0, d1) -> (0, 0, 0)>
module attributes {stable_mosaic.version = 14 : i64} {
  func.func @_sc_body(%arg0: i32, %arg1: i32, %arg2: memref<1536x112x112xf32, #tpu.memory_space<hbm>>, %arg3: memref<1536x224x224xf32, #tpu.memory_space<hbm>>, %arg4: memref<112x112xf32, #tpu.memory_space<vmem>>, %arg5: memref<112x112xf32, #tpu.memory_space<vmem>>, %arg6: memref<112x224xf32, #tpu.memory_space<vmem>>, %arg7: memref<112x224xf32, #tpu.memory_space<vmem>>, %arg8: memref<!tpu.dma_semaphore, #tpu.memory_space<semaphore_mem>>, %arg9: memref<!tpu.dma_semaphore, #tpu.memory_space<semaphore_mem>>, %arg10: memref<!tpu.dma_semaphore, #tpu.memory_space<semaphore_mem>>, %arg11: memref<!tpu.dma_semaphore, #tpu.memory_space<semaphore_mem>>) attributes {dimension_semantics = [#tpu.dimension_semantics<core_parallel>, #tpu.dimension_semantics<subcore_parallel>], iteration_bounds = array<i64: 2, 16>, scalar_prefetch = 0 : i64, scratch_operands = 8 : i64, tpu.core_type = #tpu.core_type<sc_vector_subcore>, window_params = [{transform_indices = #map}, {transform_indices = #map}]} {
    %mul3A = arith.constant 2 : i32
    %mul3A_0 = arith.muli %arg1, %mul3A : i32
    %add3A = arith.addi %mul3A_0, %arg0 : i32
    %mul3A_1 = arith.constant 48 : i32
    %mul3A_2 = arith.muli %add3A, %mul3A_1 : i32
    %iota3A = tpu.iota {dimensions = array<i32: 0>} : vector<16xi32>
    %mul3A_3 = arith.constant 2 : i32
    %mul3A_4 = vector.broadcast %mul3A_3 : i32 to vector<16xi32>
    %mul3A_5 = arith.muli %mul3A_4, %iota3A : vector<16xi32>
    %broadcast_in_dim3A = arith.constant 0.000000e+00 : f32
    %broadcast_in_dim3A_6 = vector.broadcast %broadcast_in_dim3A : f32 to vector<16xf32>
    %scan3A = arith.constant 0 : i32
    %scan3A_7 = arith.constant 0 : i32
    %scan3A_8 = arith.constant 112 : i32
    %scan3A_9 = arith.addi %scan3A_7, %scan3A_8 : i32
    %scan3A_10 = arith.constant 1 : i32
    scf.for %scan3A_53 = %scan3A_7 to %scan3A_9 step %scan3A_10  : i32 {
      %scan3A_54 = arith.constant 0 : i32
      %scan3A_55 = arith.constant 14 : i32
      %scan3A_56 = arith.addi %scan3A_54, %scan3A_55 : i32
      %scan3A_57 = arith.constant 1 : i32
      scf.for %scan3A_59 = %scan3A_54 to %scan3A_56 step %scan3A_57  : i32 {
        %mul3A_60 = arith.constant 16 : i32
        %mul3A_61 = arith.muli %scan3A_59, %mul3A_60 : i32
        %swap3A = arith.index_cast %scan3A_53 : i32 to index
        %swap3A_62 = arith.index_cast %mul3A_61 : i32 to index
        %swap3A_63 = tpu.vector_load %arg6[%swap3A, %swap3A_62] {strides = array<i32>} : memref<112x224xf32, #tpu.memory_space<vmem>>, vector<16xf32>,
        tpu.vector_store %arg6[%swap3A, %swap3A_62], %broadcast_in_dim3A_6 {strides = array<i32>} : memref<112x224xf32, #tpu.memory_space<vmem>>, vector<16xf32>,
        %mul3A_64 = arith.constant 16 : i32
        %mul3A_65 = arith.muli %scan3A_59, %mul3A_64 : i32
        %swap3A_66 = arith.index_cast %scan3A_53 : i32 to index
        %swap3A_67 = arith.index_cast %mul3A_65 : i32 to index
        %swap3A_68 = tpu.vector_load %arg7[%swap3A_66, %swap3A_67] {strides = array<i32>} : memref<112x224xf32, #tpu.memory_space<vmem>>, vector<16xf32>,
        tpu.vector_store %arg7[%swap3A_66, %swap3A_67], %broadcast_in_dim3A_6 {strides = array<i32>} : memref<112x224xf32, #tpu.memory_space<vmem>>, vector<16xf32>,
      }
      %scan3A_58 = arith.constant 14 : i32
    }
    %scan3A_11 = arith.constant 112 : i32
    %dma_start3A = arith.constant 0 : i32
    %dma_start3A_12 = arith.constant 0 : i32
    %dma_start3A_13 = tpu.memref_slice %arg2[%mul3A_2, %dma_start3A, %dma_start3A_12] : memref<1536x112x112xf32, #tpu.memory_space<hbm>> -> memref<1x112x112xf32, #tpu.memory_space<hbm>>
    %dma_start3A_14 = tpu.memref_squeeze %dma_start3A_13 : memref<1x112x112xf32, #tpu.memory_space<hbm>> -> memref<112x112xf32, #tpu.memory_space<hbm>>
    %dma_start3A_15 = arith.constant 0 : i32
    %dma_start3A_16 = arith.constant 0 : i32
    %dma_start3A_17 = tpu.memref_slice %arg2[%mul3A_2, %dma_start3A_15, %dma_start3A_16] : memref<1536x112x112xf32, #tpu.memory_space<hbm>> -> memref<1x112x112xf32, #tpu.memory_space<hbm>>
    %dma_start3A_18 = tpu.memref_squeeze %dma_start3A_17 : memref<1x112x112xf32, #tpu.memory_space<hbm>> -> memref<112x112xf32, #tpu.memory_space<hbm>>
    tpu.enqueue_dma source(%dma_start3A_18 : memref<112x112xf32, #tpu.memory_space<hbm>>) target(%arg4 : memref<112x112xf32, #tpu.memory_space<vmem>>) target_semaphore(%arg8 : memref<!tpu.dma_semaphore, #tpu.memory_space<semaphore_mem>>)
    %add3A_19 = arith.constant 1 : i32
    %add3A_20 = arith.addi %mul3A_2, %add3A_19 : i32
    %dma_start3A_21 = arith.constant 0 : i32
    %dma_start3A_22 = arith.constant 0 : i32
    %dma_start3A_23 = tpu.memref_slice %arg2[%add3A_20, %dma_start3A_21, %dma_start3A_22] : memref<1536x112x112xf32, #tpu.memory_space<hbm>> -> memref<1x112x112xf32, #tpu.memory_space<hbm>>
    %dma_start3A_24 = tpu.memref_squeeze %dma_start3A_23 : memref<1x112x112xf32, #tpu.memory_space<hbm>> -> memref<112x112xf32, #tpu.memory_space<hbm>>
    %dma_start3A_25 = arith.constant 0 : i32
    %dma_start3A_26 = arith.constant 0 : i32
    %dma_start3A_27 = tpu.memref_slice %arg2[%add3A_20, %dma_start3A_25, %dma_start3A_26] : memref<1536x112x112xf32, #tpu.memory_space<hbm>> -> memref<1x112x112xf32, #tpu.memory_space<hbm>>
    %dma_start3A_28 = tpu.memref_squeeze %dma_start3A_27 : memref<1x112x112xf32, #tpu.memory_space<hbm>> -> memref<112x112xf32, #tpu.memory_space<hbm>>
    tpu.enqueue_dma source(%dma_start3A_28 : memref<112x112xf32, #tpu.memory_space<hbm>>) target(%arg5 : memref<112x112xf32, #tpu.memory_space<vmem>>) target_semaphore(%arg9 : memref<!tpu.dma_semaphore, #tpu.memory_space<semaphore_mem>>)
    %scan3A_29 = arith.constant 0 : i32
    %scan3A_30 = arith.constant 0 : i32
    %scan3A_31 = arith.constant 48 : i32
    %scan3A_32 = arith.addi %scan3A_30, %scan3A_31 : i32
    %scan3A_33 = arith.constant 1 : i32
    scf.for %scan3A_53 = %scan3A_30 to %scan3A_32 step %scan3A_33  : i32 {
      %jit3A = arith.constant 2 : i32
      %eq3A = arith.constant 0 : i32
      %eq3A_54 = arith.cmpi eq, %jit3A, %eq3A : i32
      %jit3A_55 = arith.constant 1 : i32
      %select_n3A = arith.select %eq3A_54, %jit3A_55, %jit3A : i32
      %rem3A = arith.remsi %scan3A_53, %select_n3A : i32
      %ne3A = arith.constant 0 : i32
      %ne3A_56 = arith.cmpi ne, %rem3A, %ne3A : i32
      %lt3A = arith.constant 0 : i32
      %lt3A_57 = arith.cmpi slt, %rem3A, %lt3A : i32
      %lt3A_58 = arith.constant 0 : i32
      %lt3A_59 = arith.cmpi slt, %select_n3A, %lt3A_58 : i32
      %ne3A_60 = arith.xori %lt3A_57, %lt3A_59 : i1
      %and3A = arith.andi %ne3A_60, %ne3A_56 : i1
      %add3A_61 = arith.addi %rem3A, %select_n3A : i32
      %select_n3A_62 = arith.select %and3A, %add3A_61, %rem3A : i32
      %add3A_63 = arith.addi %mul3A_2, %scan3A_53 : i32
      %eq3A_64 = arith.constant 0 : i32
      %eq3A_65 = arith.cmpi eq, %select_n3A_62, %eq3A_64 : i32
      %convert_element_type3A = arith.extui %eq3A_65 : i1 to i32
      %cond3A = arith.constant 0 : i32
      %cond3A_66 = arith.cmpi ne, %convert_element_type3A, %cond3A : i32
      scf.if %cond3A_66 {
        %dma_wait3A_72 = arith.constant 0 : i32
        %dma_wait3A_73 = arith.constant 0 : i32
        %dma_wait3A_74 = tpu.memref_slice %arg2[%add3A_63, %dma_wait3A_72, %dma_wait3A_73] : memref<1536x112x112xf32, #tpu.memory_space<hbm>> -> memref<1x112x112xf32, #tpu.memory_space<hbm>>
        %dma_wait3A_75 = tpu.memref_squeeze %dma_wait3A_74 : memref<1x112x112xf32, #tpu.memory_space<hbm>> -> memref<112x112xf32, #tpu.memory_space<hbm>>
        %dma_wait3A_76 = arith.constant 0 : i32
        %dma_wait3A_77 = arith.constant 0 : i32
        %dma_wait3A_78 = tpu.memref_slice %arg2[%add3A_63, %dma_wait3A_76, %dma_wait3A_77] : memref<1536x112x112xf32, #tpu.memory_space<hbm>> -> memref<1x112x112xf32, #tpu.memory_space<hbm>>
        %dma_wait3A_79 = tpu.memref_squeeze %dma_wait3A_78 : memref<1x112x112xf32, #tpu.memory_space<hbm>> -> memref<112x112xf32, #tpu.memory_space<hbm>>
        tpu.wait_dma2 semaphore(%arg8 : memref<!tpu.dma_semaphore, #tpu.memory_space<semaphore_mem>>) src(%dma_wait3A_79 : memref<112x112xf32, #tpu.memory_space<hbm>>) dst(%arg4 : memref<112x112xf32, #tpu.memory_space<vmem>>)
        %gt3A = arith.constant 0 : i32
        %gt3A_80 = arith.cmpi sgt, %scan3A_53, %gt3A : i32
        %convert_element_type3A_81 = arith.extui %gt3A_80 : i1 to i32
        %cond3A_82 = arith.constant 0 : i32
        %cond3A_83 = arith.cmpi ne, %convert_element_type3A_81, %cond3A_82 : i32
        scf.if %cond3A_83 {
          %dma_wait3A_124 = arith.constant 0 : i32
          %dma_wait3A_125 = arith.constant 0 : i32
          %dma_wait3A_126 = tpu.memref_slice %arg3[%add3A_63, %dma_wait3A_124, %dma_wait3A_125] : memref<1536x224x224xf32, #tpu.memory_space<hbm>> -> memref<1x112x224xf32, #tpu.memory_space<hbm>>
          %dma_wait3A_127 = tpu.memref_squeeze %dma_wait3A_126 : memref<1x112x224xf32, #tpu.memory_space<hbm>> -> memref<112x224xf32, #tpu.memory_space<hbm>>
          %dma_wait3A_128 = arith.constant 0 : i32
          %dma_wait3A_129 = arith.constant 0 : i32
          %dma_wait3A_130 = tpu.memref_slice %arg3[%add3A_63, %dma_wait3A_128, %dma_wait3A_129] : memref<1536x224x224xf32, #tpu.memory_space<hbm>> -> memref<1x112x224xf32, #tpu.memory_space<hbm>>
          %dma_wait3A_131 = tpu.memref_squeeze %dma_wait3A_130 : memref<1x112x224xf32, #tpu.memory_space<hbm>> -> memref<112x224xf32, #tpu.memory_space<hbm>>
          tpu.wait_dma2 semaphore(%arg10 : memref<!tpu.dma_semaphore, #tpu.memory_space<semaphore_mem>>) src(%arg6 : memref<112x224xf32, #tpu.memory_space<vmem>>) dst(%dma_wait3A_131 : memref<112x224xf32, #tpu.memory_space<hbm>>)
        } else {
        }
        %scan3A_84 = arith.constant 0 : i32
        %scan3A_85 = arith.constant 0 : i32
        %scan3A_86 = arith.constant 56 : i32
        %scan3A_87 = arith.addi %scan3A_85, %scan3A_86 : i32
        %scan3A_88 = arith.constant 1 : i32
        scf.for %scan3A_124 = %scan3A_85 to %scan3A_87 step %scan3A_88  : i32 {
          %mul3A_125 = arith.constant 2 : i32
          %mul3A_126 = arith.muli %mul3A_125, %scan3A_124 : i32
          %add3A_127 = arith.constant 1 : i32
          %add3A_128 = arith.addi %mul3A_126, %add3A_127 : i32
          %broadcast_in_dim3A_129 = vector.broadcast %add3A_128 : i32 to vector<16xi32>
          %add3A_130 = arith.constant 0 : i32
          %add3A_131 = arith.addi %add3A_130, %scan3A_124 : i32
          %get3A = arith.index_cast %add3A_131 : i32 to index
          %get3A_132 = arith.constant 0 : index
          %get3A_133 = tpu.vector_load %arg4[%get3A, %get3A_132] {strides = array<i32>} : memref<112x112xf32, #tpu.memory_space<vmem>>, vector<16xf32>,
          %add3A_134 = arith.constant 1 : i32
          %add3A_135 = vector.broadcast %add3A_134 : i32 to vector<16xi32>
          %add3A_136 = arith.addi %add3A_135, %mul3A_5 : vector<16xi32>
          tpu.vector_store_idx %arg6[%broadcast_in_dim3A_129, %add3A_136], %get3A_133 : memref<112x224xf32, #tpu.memory_space<vmem>>[vector<16xi32>, vector<16xi32>], vector<16xf32>,
          %add3A_137 = arith.constant 0 : i32
          %add3A_138 = arith.addi %add3A_137, %scan3A_124 : i32
          %get3A_139 = arith.index_cast %add3A_138 : i32 to index
          %get3A_140 = arith.constant 16 : index
          %get3A_141 = tpu.vector_load %arg4[%get3A_139, %get3A_140] {strides = array<i32>} : memref<112x112xf32, #tpu.memory_space<vmem>>, vector<16xf32>,
          %add3A_142 = arith.constant 33 : i32
          %add3A_143 = vector.broadcast %add3A_142 : i32 to vector<16xi32>
          %add3A_144 = arith.addi %add3A_143, %mul3A_5 : vector<16xi32>
          tpu.vector_store_idx %arg6[%broadcast_in_dim3A_129, %add3A_144], %get3A_141 : memref<112x224xf32, #tpu.memory_space<vmem>>[vector<16xi32>, vector<16xi32>], vector<16xf32>,
          %add3A_145 = arith.constant 0 : i32
          %add3A_146 = arith.addi %add3A_145, %scan3A_124 : i32
          %get3A_147 = arith.index_cast %add3A_146 : i32 to index
          %get3A_148 = arith.constant 32 : index
          %get3A_149 = tpu.vector_load %arg4[%get3A_147, %get3A_148] {strides = array<i32>} : memref<112x112xf32, #tpu.memory_space<vmem>>, vector<16xf32>,
          %add3A_150 = arith.constant 65 : i32
          %add3A_151 = vector.broadcast %add3A_150 : i32 to vector<16xi32>
          %add3A_152 = arith.addi %add3A_151, %mul3A_5 : vector<16xi32>
          tpu.vector_store_idx %arg6[%broadcast_in_dim3A_129, %add3A_152], %get3A_149 : memref<112x224xf32, #tpu.memory_space<vmem>>[vector<16xi32>, vector<16xi32>], vector<16xf32>,
          %add3A_153 = arith.constant 0 : i32
          %add3A_154 = arith.addi %add3A_153, %scan3A_124 : i32
          %get3A_155 = arith.index_cast %add3A_154 : i32 to index
          %get3A_156 = arith.constant 48 : index
          %get3A_157 = tpu.vector_load %arg4[%get3A_155, %get3A_156] {strides = array<i32>} : memref<112x112xf32, #tpu.memory_space<vmem>>, vector<16xf32>,
          %add3A_158 = arith.constant 97 : i32
          %add3A_159 = vector.broadcast %add3A_158 : i32 to vector<16xi32>
          %add3A_160 = arith.addi %add3A_159, %mul3A_5 : vector<16xi32>
          tpu.vector_store_idx %arg6[%broadcast_in_dim3A_129, %add3A_160], %get3A_157 : memref<112x224xf32, #tpu.memory_space<vmem>>[vector<16xi32>, vector<16xi32>], vector<16xf32>,
          %add3A_161 = arith.constant 0 : i32
          %add3A_162 = arith.addi %add3A_161, %scan3A_124 : i32
          %get3A_163 = arith.index_cast %add3A_162 : i32 to index
          %get3A_164 = arith.constant 64 : index
          %get3A_165 = tpu.vector_load %arg4[%get3A_163, %get3A_164] {strides = array<i32>} : memref<112x112xf32, #tpu.memory_space<vmem>>, vector<16xf32>,
          %add3A_166 = arith.constant 129 : i32
          %add3A_167 = vector.broadcast %add3A_166 : i32 to vector<16xi32>
          %add3A_168 = arith.addi %add3A_167, %mul3A_5 : vector<16xi32>
          tpu.vector_store_idx %arg6[%broadcast_in_dim3A_129, %add3A_168], %get3A_165 : memref<112x224xf32, #tpu.memory_space<vmem>>[vector<16xi32>, vector<16xi32>], vector<16xf32>,
          %add3A_169 = arith.constant 0 : i32
          %add3A_170 = arith.addi %add3A_169, %scan3A_124 : i32
          %get3A_171 = arith.index_cast %add3A_170 : i32 to index
          %get3A_172 = arith.constant 80 : index
          %get3A_173 = tpu.vector_load %arg4[%get3A_171, %get3A_172] {strides = array<i32>} : memref<112x112xf32, #tpu.memory_space<vmem>>, vector<16xf32>,
          %add3A_174 = arith.constant 161 : i32
          %add3A_175 = vector.broadcast %add3A_174 : i32 to vector<16xi32>
          %add3A_176 = arith.addi %add3A_175, %mul3A_5 : vector<16xi32>
          tpu.vector_store_idx %arg6[%broadcast_in_dim3A_129, %add3A_176], %get3A_173 : memref<112x224xf32, #tpu.memory_space<vmem>>[vector<16xi32>, vector<16xi32>], vector<16xf32>,
          %add3A_177 = arith.constant 0 : i32
          %add3A_178 = arith.addi %add3A_177, %scan3A_124 : i32
          %get3A_179 = arith.index_cast %add3A_178 : i32 to index
          %get3A_180 = arith.constant 96 : index
          %get3A_181 = tpu.vector_load %arg4[%get3A_179, %get3A_180] {strides = array<i32>} : memref<112x112xf32, #tpu.memory_space<vmem>>, vector<16xf32>,
          %add3A_182 = arith.constant 193 : i32
          %add3A_183 = vector.broadcast %add3A_182 : i32 to vector<16xi32>
          %add3A_184 = arith.addi %add3A_183, %mul3A_5 : vector<16xi32>
          tpu.vector_store_idx %arg6[%broadcast_in_dim3A_129, %add3A_184], %get3A_181 : memref<112x224xf32, #tpu.memory_space<vmem>>[vector<16xi32>, vector<16xi32>], vector<16xf32>,
        }
        %scan3A_89 = arith.constant 56 : i32
        %dma_start3A_90 = arith.constant 0 : i32
        %dma_start3A_91 = arith.constant 0 : i32
        %dma_start3A_92 = tpu.memref_slice %arg3[%add3A_63, %dma_start3A_90, %dma_start3A_91] : memref<1536x224x224xf32, #tpu.memory_space<hbm>> -> memref<1x112x224xf32, #tpu.memory_space<hbm>>
        %dma_start3A_93 = tpu.memref_squeeze %dma_start3A_92 : memref<1x112x224xf32, #tpu.memory_space<hbm>> -> memref<112x224xf32, #tpu.memory_space<hbm>>
        %dma_start3A_94 = arith.constant 0 : i32
        %dma_start3A_95 = arith.constant 0 : i32
        %dma_start3A_96 = tpu.memref_slice %arg3[%add3A_63, %dma_start3A_94, %dma_start3A_95] : memref<1536x224x224xf32, #tpu.memory_space<hbm>> -> memref<1x112x224xf32, #tpu.memory_space<hbm>>
        %dma_start3A_97 = tpu.memref_squeeze %dma_start3A_96 : memref<1x112x224xf32, #tpu.memory_space<hbm>> -> memref<112x224xf32, #tpu.memory_space<hbm>>
        tpu.enqueue_dma source(%arg6 : memref<112x224xf32, #tpu.memory_space<vmem>>) target(%dma_start3A_97 : memref<112x224xf32, #tpu.memory_space<hbm>>) target_semaphore(%arg10 : memref<!tpu.dma_semaphore, #tpu.memory_space<semaphore_mem>>)
        %gt3A_98 = arith.constant 0 : i32
        %gt3A_99 = arith.cmpi sgt, %scan3A_53, %gt3A_98 : i32
        %convert_element_type3A_100 = arith.extui %gt3A_99 : i1 to i32
        %cond3A_101 = arith.constant 0 : i32
        %cond3A_102 = arith.cmpi ne, %convert_element_type3A_100, %cond3A_101 : i32
        scf.if %cond3A_102 {
          %dma_wait3A_124 = arith.constant 112 : i32
          %dma_wait3A_125 = arith.constant 0 : i32
          %dma_wait3A_126 = tpu.memref_slice %arg3[%add3A_63, %dma_wait3A_124, %dma_wait3A_125] : memref<1536x224x224xf32, #tpu.memory_space<hbm>> -> memref<1x112x224xf32, #tpu.memory_space<hbm>>
          %dma_wait3A_127 = tpu.memref_squeeze %dma_wait3A_126 : memref<1x112x224xf32, #tpu.memory_space<hbm>> -> memref<112x224xf32, #tpu.memory_space<hbm>>
          %dma_wait3A_128 = arith.constant 112 : i32
          %dma_wait3A_129 = arith.constant 0 : i32
          %dma_wait3A_130 = tpu.memref_slice %arg3[%add3A_63, %dma_wait3A_128, %dma_wait3A_129] : memref<1536x224x224xf32, #tpu.memory_space<hbm>> -> memref<1x112x224xf32, #tpu.memory_space<hbm>>
          %dma_wait3A_131 = tpu.memref_squeeze %dma_wait3A_130 : memref<1x112x224xf32, #tpu.memory_space<hbm>> -> memref<112x224xf32, #tpu.memory_space<hbm>>
          tpu.wait_dma2 semaphore(%arg11 : memref<!tpu.dma_semaphore, #tpu.memory_space<semaphore_mem>>) src(%arg7 : memref<112x224xf32, #tpu.memory_space<vmem>>) dst(%dma_wait3A_131 : memref<112x224xf32, #tpu.memory_space<hbm>>)
        } else {
        }
        %scan3A_103 = arith.constant 0 : i32
        %scan3A_104 = arith.constant 0 : i32
        %scan3A_105 = arith.constant 56 : i32
        %scan3A_106 = arith.addi %scan3A_104, %scan3A_105 : i32
        %scan3A_107 = arith.constant 1 : i32
        scf.for %scan3A_124 = %scan3A_104 to %scan3A_106 step %scan3A_107  : i32 {
          %mul3A_125 = arith.constant 2 : i32
          %mul3A_126 = arith.muli %mul3A_125, %scan3A_124 : i32
          %add3A_127 = arith.constant 1 : i32
          %add3A_128 = arith.addi %mul3A_126, %add3A_127 : i32
          %broadcast_in_dim3A_129 = vector.broadcast %add3A_128 : i32 to vector<16xi32>
          %add3A_130 = arith.constant 56 : i32
          %add3A_131 = arith.addi %add3A_130, %scan3A_124 : i32
          %get3A = arith.index_cast %add3A_131 : i32 to index
          %get3A_132 = arith.constant 0 : index
          %get3A_133 = tpu.vector_load %arg4[%get3A, %get3A_132] {strides = array<i32>} : memref<112x112xf32, #tpu.memory_space<vmem>>, vector<16xf32>,
          %add3A_134 = arith.constant 1 : i32
          %add3A_135 = vector.broadcast %add3A_134 : i32 to vector<16xi32>
          %add3A_136 = arith.addi %add3A_135, %mul3A_5 : vector<16xi32>
          tpu.vector_store_idx %arg7[%broadcast_in_dim3A_129, %add3A_136], %get3A_133 : memref<112x224xf32, #tpu.memory_space<vmem>>[vector<16xi32>, vector<16xi32>], vector<16xf32>,
          %add3A_137 = arith.constant 56 : i32
          %add3A_138 = arith.addi %add3A_137, %scan3A_124 : i32
          %get3A_139 = arith.index_cast %add3A_138 : i32 to index
          %get3A_140 = arith.constant 16 : index
          %get3A_141 = tpu.vector_load %arg4[%get3A_139, %get3A_140] {strides = array<i32>} : memref<112x112xf32, #tpu.memory_space<vmem>>, vector<16xf32>,
          %add3A_142 = arith.constant 33 : i32
          %add3A_143 = vector.broadcast %add3A_142 : i32 to vector<16xi32>
          %add3A_144 = arith.addi %add3A_143, %mul3A_5 : vector<16xi32>
          tpu.vector_store_idx %arg7[%broadcast_in_dim3A_129, %add3A_144], %get3A_141 : memref<112x224xf32, #tpu.memory_space<vmem>>[vector<16xi32>, vector<16xi32>], vector<16xf32>,
          %add3A_145 = arith.constant 56 : i32
          %add3A_146 = arith.addi %add3A_145, %scan3A_124 : i32
          %get3A_147 = arith.index_cast %add3A_146 : i32 to index
          %get3A_148 = arith.constant 32 : index
          %get3A_149 = tpu.vector_load %arg4[%get3A_147, %get3A_148] {strides = array<i32>} : memref<112x112xf32, #tpu.memory_space<vmem>>, vector<16xf32>,
          %add3A_150 = arith.constant 65 : i32
          %add3A_151 = vector.broadcast %add3A_150 : i32 to vector<16xi32>
          %add3A_152 = arith.addi %add3A_151, %mul3A_5 : vector<16xi32>
          tpu.vector_store_idx %arg7[%broadcast_in_dim3A_129, %add3A_152], %get3A_149 : memref<112x224xf32, #tpu.memory_space<vmem>>[vector<16xi32>, vector<16xi32>], vector<16xf32>,
          %add3A_153 = arith.constant 56 : i32
          %add3A_154 = arith.addi %add3A_153, %scan3A_124 : i32
          %get3A_155 = arith.index_cast %add3A_154 : i32 to index
          %get3A_156 = arith.constant 48 : index
          %get3A_157 = tpu.vector_load %arg4[%get3A_155, %get3A_156] {strides = array<i32>} : memref<112x112xf32, #tpu.memory_space<vmem>>, vector<16xf32>,
          %add3A_158 = arith.constant 97 : i32
          %add3A_159 = vector.broadcast %add3A_158 : i32 to vector<16xi32>
          %add3A_160 = arith.addi %add3A_159, %mul3A_5 : vector<16xi32>
          tpu.vector_store_idx %arg7[%broadcast_in_dim3A_129, %add3A_160], %get3A_157 : memref<112x224xf32, #tpu.memory_space<vmem>>[vector<16xi32>, vector<16xi32>], vector<16xf32>,
          %add3A_161 = arith.constant 56 : i32
          %add3A_162 = arith.addi %add3A_161, %scan3A_124 : i32
          %get3A_163 = arith.index_cast %add3A_162 : i32 to index
          %get3A_164 = arith.constant 64 : index
          %get3A_165 = tpu.vector_load %arg4[%get3A_163, %get3A_164] {strides = array<i32>} : memref<112x112xf32, #tpu.memory_space<vmem>>, vector<16xf32>,
          %add3A_166 = arith.constant 129 : i32
          %add3A_167 = vector.broadcast %add3A_166 : i32 to vector<16xi32>
          %add3A_168 = arith.addi %add3A_167, %mul3A_5 : vector<16xi32>
          tpu.vector_store_idx %arg7[%broadcast_in_dim3A_129, %add3A_168], %get3A_165 : memref<112x224xf32, #tpu.memory_space<vmem>>[vector<16xi32>, vector<16xi32>], vector<16xf32>,
          %add3A_169 = arith.constant 56 : i32
          %add3A_170 = arith.addi %add3A_169, %scan3A_124 : i32
          %get3A_171 = arith.index_cast %add3A_170 : i32 to index
          %get3A_172 = arith.constant 80 : index
          %get3A_173 = tpu.vector_load %arg4[%get3A_171, %get3A_172] {strides = array<i32>} : memref<112x112xf32, #tpu.memory_space<vmem>>, vector<16xf32>,
          %add3A_174 = arith.constant 161 : i32
          %add3A_175 = vector.broadcast %add3A_174 : i32 to vector<16xi32>
          %add3A_176 = arith.addi %add3A_175, %mul3A_5 : vector<16xi32>
          tpu.vector_store_idx %arg7[%broadcast_in_dim3A_129, %add3A_176], %get3A_173 : memref<112x224xf32, #tpu.memory_space<vmem>>[vector<16xi32>, vector<16xi32>], vector<16xf32>,
          %add3A_177 = arith.constant 56 : i32
          %add3A_178 = arith.addi %add3A_177, %scan3A_124 : i32
          %get3A_179 = arith.index_cast %add3A_178 : i32 to index
          %get3A_180 = arith.constant 96 : index
          %get3A_181 = tpu.vector_load %arg4[%get3A_179, %get3A_180] {strides = array<i32>} : memref<112x112xf32, #tpu.memory_space<vmem>>, vector<16xf32>,
          %add3A_182 = arith.constant 193 : i32
          %add3A_183 = vector.broadcast %add3A_182 : i32 to vector<16xi32>
          %add3A_184 = arith.addi %add3A_183, %mul3A_5 : vector<16xi32>
          tpu.vector_store_idx %arg7[%broadcast_in_dim3A_129, %add3A_184], %get3A_181 : memref<112x224xf32, #tpu.memory_space<vmem>>[vector<16xi32>, vector<16xi32>], vector<16xf32>,
        }
        %scan3A_108 = arith.constant 56 : i32
        %dma_start3A_109 = arith.constant 112 : i32
        %dma_start3A_110 = arith.constant 0 : i32
        %dma_start3A_111 = tpu.memref_slice %arg3[%add3A_63, %dma_start3A_109, %dma_start3A_110] : memref<1536x224x224xf32, #tpu.memory_space<hbm>> -> memref<1x112x224xf32, #tpu.memory_space<hbm>>
        %dma_start3A_112 = tpu.memref_squeeze %dma_start3A_111 : memref<1x112x224xf32, #tpu.memory_space<hbm>> -> memref<112x224xf32, #tpu.memory_space<hbm>>
        %dma_start3A_113 = arith.constant 112 : i32
        %dma_start3A_114 = arith.constant 0 : i32
        %dma_start3A_115 = tpu.memref_slice %arg3[%add3A_63, %dma_start3A_113, %dma_start3A_114] : memref<1536x224x224xf32, #tpu.memory_space<hbm>> -> memref<1x112x224xf32, #tpu.memory_space<hbm>>
        %dma_start3A_116 = tpu.memref_squeeze %dma_start3A_115 : memref<1x112x224xf32, #tpu.memory_space<hbm>> -> memref<112x224xf32, #tpu.memory_space<hbm>>
        tpu.enqueue_dma source(%arg7 : memref<112x224xf32, #tpu.memory_space<vmem>>) target(%dma_start3A_116 : memref<112x224xf32, #tpu.memory_space<hbm>>) target_semaphore(%arg11 : memref<!tpu.dma_semaphore, #tpu.memory_space<semaphore_mem>>)
        %add3A_117 = arith.constant 2 : i32
        %add3A_118 = arith.addi %scan3A_53, %add3A_117 : i32
        %lt3A_119 = arith.constant 48 : i32
        %lt3A_120 = arith.cmpi slt, %add3A_118, %lt3A_119 : i32
        %convert_element_type3A_121 = arith.extui %lt3A_120 : i1 to i32
        %cond3A_122 = arith.constant 0 : i32
        %cond3A_123 = arith.cmpi ne, %convert_element_type3A_121, %cond3A_122 : i32
        scf.if %cond3A_123 {
          %add3A_124 = arith.constant 2 : i32
          %add3A_125 = arith.addi %add3A_63, %add3A_124 : i32
          %dma_start3A_126 = arith.constant 0 : i32
          %dma_start3A_127 = arith.constant 0 : i32
          %dma_start3A_128 = tpu.memref_slice %arg2[%add3A_125, %dma_start3A_126, %dma_start3A_127] : memref<1536x112x112xf32, #tpu.memory_space<hbm>> -> memref<1x112x112xf32, #tpu.memory_space<hbm>>
          %dma_start3A_129 = tpu.memref_squeeze %dma_start3A_128 : memref<1x112x112xf32, #tpu.memory_space<hbm>> -> memref<112x112xf32, #tpu.memory_space<hbm>>
          %dma_start3A_130 = arith.constant 0 : i32
          %dma_start3A_131 = arith.constant 0 : i32
          %dma_start3A_132 = tpu.memref_slice %arg2[%add3A_125, %dma_start3A_130, %dma_start3A_131] : memref<1536x112x112xf32, #tpu.memory_space<hbm>> -> memref<1x112x112xf32, #tpu.memory_space<hbm>>
          %dma_start3A_133 = tpu.memref_squeeze %dma_start3A_132 : memref<1x112x112xf32, #tpu.memory_space<hbm>> -> memref<112x112xf32, #tpu.memory_space<hbm>>
          tpu.enqueue_dma source(%dma_start3A_133 : memref<112x112xf32, #tpu.memory_space<hbm>>) target(%arg4 : memref<112x112xf32, #tpu.memory_space<vmem>>) target_semaphore(%arg8 : memref<!tpu.dma_semaphore, #tpu.memory_space<semaphore_mem>>)
        } else {
        }
      } else {
      }
      %eq3A_67 = arith.constant 1 : i32
      %eq3A_68 = arith.cmpi eq, %select_n3A_62, %eq3A_67 : i32
      %convert_element_type3A_69 = arith.extui %eq3A_68 : i1 to i32
      %cond3A_70 = arith.constant 0 : i32
      %cond3A_71 = arith.cmpi ne, %convert_element_type3A_69, %cond3A_70 : i32
      scf.if %cond3A_71 {
        %dma_wait3A_72 = arith.constant 0 : i32
        %dma_wait3A_73 = arith.constant 0 : i32
        %dma_wait3A_74 = tpu.memref_slice %arg2[%add3A_63, %dma_wait3A_72, %dma_wait3A_73] : memref<1536x112x112xf32, #tpu.memory_space<hbm>> -> memref<1x112x112xf32, #tpu.memory_space<hbm>>
        %dma_wait3A_75 = tpu.memref_squeeze %dma_wait3A_74 : memref<1x112x112xf32, #tpu.memory_space<hbm>> -> memref<112x112xf32, #tpu.memory_space<hbm>>
        %dma_wait3A_76 = arith.constant 0 : i32
        %dma_wait3A_77 = arith.constant 0 : i32
        %dma_wait3A_78 = tpu.memref_slice %arg2[%add3A_63, %dma_wait3A_76, %dma_wait3A_77] : memref<1536x112x112xf32, #tpu.memory_space<hbm>> -> memref<1x112x112xf32, #tpu.memory_space<hbm>>
        %dma_wait3A_79 = tpu.memref_squeeze %dma_wait3A_78 : memref<1x112x112xf32, #tpu.memory_space<hbm>> -> memref<112x112xf32, #tpu.memory_space<hbm>>
        tpu.wait_dma2 semaphore(%arg9 : memref<!tpu.dma_semaphore, #tpu.memory_space<semaphore_mem>>) src(%dma_wait3A_79 : memref<112x112xf32, #tpu.memory_space<hbm>>) dst(%arg5 : memref<112x112xf32, #tpu.memory_space<vmem>>)
        %gt3A = arith.constant 0 : i32
        %gt3A_80 = arith.cmpi sgt, %scan3A_53, %gt3A : i32
        %convert_element_type3A_81 = arith.extui %gt3A_80 : i1 to i32
        %cond3A_82 = arith.constant 0 : i32
        %cond3A_83 = arith.cmpi ne, %convert_element_type3A_81, %cond3A_82 : i32
        scf.if %cond3A_83 {
          %dma_wait3A_124 = arith.constant 0 : i32
          %dma_wait3A_125 = arith.constant 0 : i32
          %dma_wait3A_126 = tpu.memref_slice %arg3[%add3A_63, %dma_wait3A_124, %dma_wait3A_125] : memref<1536x224x224xf32, #tpu.memory_space<hbm>> -> memref<1x112x224xf32, #tpu.memory_space<hbm>>
          %dma_wait3A_127 = tpu.memref_squeeze %dma_wait3A_126 : memref<1x112x224xf32, #tpu.memory_space<hbm>> -> memref<112x224xf32, #tpu.memory_space<hbm>>
          %dma_wait3A_128 = arith.constant 0 : i32
          %dma_wait3A_129 = arith.constant 0 : i32
          %dma_wait3A_130 = tpu.memref_slice %arg3[%add3A_63, %dma_wait3A_128, %dma_wait3A_129] : memref<1536x224x224xf32, #tpu.memory_space<hbm>> -> memref<1x112x224xf32, #tpu.memory_space<hbm>>
          %dma_wait3A_131 = tpu.memref_squeeze %dma_wait3A_130 : memref<1x112x224xf32, #tpu.memory_space<hbm>> -> memref<112x224xf32, #tpu.memory_space<hbm>>
          tpu.wait_dma2 semaphore(%arg10 : memref<!tpu.dma_semaphore, #tpu.memory_space<semaphore_mem>>) src(%arg6 : memref<112x224xf32, #tpu.memory_space<vmem>>) dst(%dma_wait3A_131 : memref<112x224xf32, #tpu.memory_space<hbm>>)
        } else {
        }
        %scan3A_84 = arith.constant 0 : i32
        %scan3A_85 = arith.constant 0 : i32
        %scan3A_86 = arith.constant 56 : i32
        %scan3A_87 = arith.addi %scan3A_85, %scan3A_86 : i32
        %scan3A_88 = arith.constant 1 : i32
        scf.for %scan3A_124 = %scan3A_85 to %scan3A_87 step %scan3A_88  : i32 {
          %mul3A_125 = arith.constant 2 : i32
          %mul3A_126 = arith.muli %mul3A_125, %scan3A_124 : i32
          %add3A_127 = arith.constant 1 : i32
          %add3A_128 = arith.addi %mul3A_126, %add3A_127 : i32
          %broadcast_in_dim3A_129 = vector.broadcast %add3A_128 : i32 to vector<16xi32>
          %add3A_130 = arith.constant 0 : i32
          %add3A_131 = arith.addi %add3A_130, %scan3A_124 : i32
          %get3A = arith.index_cast %add3A_131 : i32 to index
          %get3A_132 = arith.constant 0 : index
          %get3A_133 = tpu.vector_load %arg5[%get3A, %get3A_132] {strides = array<i32>} : memref<112x112xf32, #tpu.memory_space<vmem>>, vector<16xf32>,
          %add3A_134 = arith.constant 1 : i32
          %add3A_135 = vector.broadcast %add3A_134 : i32 to vector<16xi32>
          %add3A_136 = arith.addi %add3A_135, %mul3A_5 : vector<16xi32>
          tpu.vector_store_idx %arg6[%broadcast_in_dim3A_129, %add3A_136], %get3A_133 : memref<112x224xf32, #tpu.memory_space<vmem>>[vector<16xi32>, vector<16xi32>], vector<16xf32>,
          %add3A_137 = arith.constant 0 : i32
          %add3A_138 = arith.addi %add3A_137, %scan3A_124 : i32
          %get3A_139 = arith.index_cast %add3A_138 : i32 to index
          %get3A_140 = arith.constant 16 : index
          %get3A_141 = tpu.vector_load %arg5[%get3A_139, %get3A_140] {strides = array<i32>} : memref<112x112xf32, #tpu.memory_space<vmem>>, vector<16xf32>,
          %add3A_142 = arith.constant 33 : i32
          %add3A_143 = vector.broadcast %add3A_142 : i32 to vector<16xi32>
          %add3A_144 = arith.addi %add3A_143, %mul3A_5 : vector<16xi32>
          tpu.vector_store_idx %arg6[%broadcast_in_dim3A_129, %add3A_144], %get3A_141 : memref<112x224xf32, #tpu.memory_space<vmem>>[vector<16xi32>, vector<16xi32>], vector<16xf32>,
          %add3A_145 = arith.constant 0 : i32
          %add3A_146 = arith.addi %add3A_145, %scan3A_124 : i32
          %get3A_147 = arith.index_cast %add3A_146 : i32 to index
          %get3A_148 = arith.constant 32 : index
          %get3A_149 = tpu.vector_load %arg5[%get3A_147, %get3A_148] {strides = array<i32>} : memref<112x112xf32, #tpu.memory_space<vmem>>, vector<16xf32>,
          %add3A_150 = arith.constant 65 : i32
          %add3A_151 = vector.broadcast %add3A_150 : i32 to vector<16xi32>
          %add3A_152 = arith.addi %add3A_151, %mul3A_5 : vector<16xi32>
          tpu.vector_store_idx %arg6[%broadcast_in_dim3A_129, %add3A_152], %get3A_149 : memref<112x224xf32, #tpu.memory_space<vmem>>[vector<16xi32>, vector<16xi32>], vector<16xf32>,
          %add3A_153 = arith.constant 0 : i32
          %add3A_154 = arith.addi %add3A_153, %scan3A_124 : i32
          %get3A_155 = arith.index_cast %add3A_154 : i32 to index
          %get3A_156 = arith.constant 48 : index
          %get3A_157 = tpu.vector_load %arg5[%get3A_155, %get3A_156] {strides = array<i32>} : memref<112x112xf32, #tpu.memory_space<vmem>>, vector<16xf32>,
          %add3A_158 = arith.constant 97 : i32
          %add3A_159 = vector.broadcast %add3A_158 : i32 to vector<16xi32>
          %add3A_160 = arith.addi %add3A_159, %mul3A_5 : vector<16xi32>
          tpu.vector_store_idx %arg6[%broadcast_in_dim3A_129, %add3A_160], %get3A_157 : memref<112x224xf32, #tpu.memory_space<vmem>>[vector<16xi32>, vector<16xi32>], vector<16xf32>,
          %add3A_161 = arith.constant 0 : i32
          %add3A_162 = arith.addi %add3A_161, %scan3A_124 : i32
          %get3A_163 = arith.index_cast %add3A_162 : i32 to index
          %get3A_164 = arith.constant 64 : index
          %get3A_165 = tpu.vector_load %arg5[%get3A_163, %get3A_164] {strides = array<i32>} : memref<112x112xf32, #tpu.memory_space<vmem>>, vector<16xf32>,
          %add3A_166 = arith.constant 129 : i32
          %add3A_167 = vector.broadcast %add3A_166 : i32 to vector<16xi32>
          %add3A_168 = arith.addi %add3A_167, %mul3A_5 : vector<16xi32>
          tpu.vector_store_idx %arg6[%broadcast_in_dim3A_129, %add3A_168], %get3A_165 : memref<112x224xf32, #tpu.memory_space<vmem>>[vector<16xi32>, vector<16xi32>], vector<16xf32>,
          %add3A_169 = arith.constant 0 : i32
          %add3A_170 = arith.addi %add3A_169, %scan3A_124 : i32
          %get3A_171 = arith.index_cast %add3A_170 : i32 to index
          %get3A_172 = arith.constant 80 : index
          %get3A_173 = tpu.vector_load %arg5[%get3A_171, %get3A_172] {strides = array<i32>} : memref<112x112xf32, #tpu.memory_space<vmem>>, vector<16xf32>,
          %add3A_174 = arith.constant 161 : i32
          %add3A_175 = vector.broadcast %add3A_174 : i32 to vector<16xi32>
          %add3A_176 = arith.addi %add3A_175, %mul3A_5 : vector<16xi32>
          tpu.vector_store_idx %arg6[%broadcast_in_dim3A_129, %add3A_176], %get3A_173 : memref<112x224xf32, #tpu.memory_space<vmem>>[vector<16xi32>, vector<16xi32>], vector<16xf32>,
          %add3A_177 = arith.constant 0 : i32
          %add3A_178 = arith.addi %add3A_177, %scan3A_124 : i32
          %get3A_179 = arith.index_cast %add3A_178 : i32 to index
          %get3A_180 = arith.constant 96 : index
          %get3A_181 = tpu.vector_load %arg5[%get3A_179, %get3A_180] {strides = array<i32>} : memref<112x112xf32, #tpu.memory_space<vmem>>, vector<16xf32>,
          %add3A_182 = arith.constant 193 : i32
          %add3A_183 = vector.broadcast %add3A_182 : i32 to vector<16xi32>
          %add3A_184 = arith.addi %add3A_183, %mul3A_5 : vector<16xi32>
          tpu.vector_store_idx %arg6[%broadcast_in_dim3A_129, %add3A_184], %get3A_181 : memref<112x224xf32, #tpu.memory_space<vmem>>[vector<16xi32>, vector<16xi32>], vector<16xf32>,
        }
        %scan3A_89 = arith.constant 56 : i32
        %dma_start3A_90 = arith.constant 0 : i32
        %dma_start3A_91 = arith.constant 0 : i32
        %dma_start3A_92 = tpu.memref_slice %arg3[%add3A_63, %dma_start3A_90, %dma_start3A_91] : memref<1536x224x224xf32, #tpu.memory_space<hbm>> -> memref<1x112x224xf32, #tpu.memory_space<hbm>>
        %dma_start3A_93 = tpu.memref_squeeze %dma_start3A_92 : memref<1x112x224xf32, #tpu.memory_space<hbm>> -> memref<112x224xf32, #tpu.memory_space<hbm>>
        %dma_start3A_94 = arith.constant 0 : i32
        %dma_start3A_95 = arith.constant 0 : i32
        %dma_start3A_96 = tpu.memref_slice %arg3[%add3A_63, %dma_start3A_94, %dma_start3A_95] : memref<1536x224x224xf32, #tpu.memory_space<hbm>> -> memref<1x112x224xf32, #tpu.memory_space<hbm>>
        %dma_start3A_97 = tpu.memref_squeeze %dma_start3A_96 : memref<1x112x224xf32, #tpu.memory_space<hbm>> -> memref<112x224xf32, #tpu.memory_space<hbm>>
        tpu.enqueue_dma source(%arg6 : memref<112x224xf32, #tpu.memory_space<vmem>>) target(%dma_start3A_97 : memref<112x224xf32, #tpu.memory_space<hbm>>) target_semaphore(%arg10 : memref<!tpu.dma_semaphore, #tpu.memory_space<semaphore_mem>>)
        %gt3A_98 = arith.constant 0 : i32
        %gt3A_99 = arith.cmpi sgt, %scan3A_53, %gt3A_98 : i32
        %convert_element_type3A_100 = arith.extui %gt3A_99 : i1 to i32
        %cond3A_101 = arith.constant 0 : i32
        %cond3A_102 = arith.cmpi ne, %convert_element_type3A_100, %cond3A_101 : i32
        scf.if %cond3A_102 {
          %dma_wait3A_124 = arith.constant 112 : i32
          %dma_wait3A_125 = arith.constant 0 : i32
          %dma_wait3A_126 = tpu.memref_slice %arg3[%add3A_63, %dma_wait3A_124, %dma_wait3A_125] : memref<1536x224x224xf32, #tpu.memory_space<hbm>> -> memref<1x112x224xf32, #tpu.memory_space<hbm>>
          %dma_wait3A_127 = tpu.memref_squeeze %dma_wait3A_126 : memref<1x112x224xf32, #tpu.memory_space<hbm>> -> memref<112x224xf32, #tpu.memory_space<hbm>>
          %dma_wait3A_128 = arith.constant 112 : i32
          %dma_wait3A_129 = arith.constant 0 : i32
          %dma_wait3A_130 = tpu.memref_slice %arg3[%add3A_63, %dma_wait3A_128, %dma_wait3A_129] : memref<1536x224x224xf32, #tpu.memory_space<hbm>> -> memref<1x112x224xf32, #tpu.memory_space<hbm>>
          %dma_wait3A_131 = tpu.memref_squeeze %dma_wait3A_130 : memref<1x112x224xf32, #tpu.memory_space<hbm>> -> memref<112x224xf32, #tpu.memory_space<hbm>>
          tpu.wait_dma2 semaphore(%arg11 : memref<!tpu.dma_semaphore, #tpu.memory_space<semaphore_mem>>) src(%arg7 : memref<112x224xf32, #tpu.memory_space<vmem>>) dst(%dma_wait3A_131 : memref<112x224xf32, #tpu.memory_space<hbm>>)
        } else {
        }
        %scan3A_103 = arith.constant 0 : i32
        %scan3A_104 = arith.constant 0 : i32
        %scan3A_105 = arith.constant 56 : i32
        %scan3A_106 = arith.addi %scan3A_104, %scan3A_105 : i32
        %scan3A_107 = arith.constant 1 : i32
        scf.for %scan3A_124 = %scan3A_104 to %scan3A_106 step %scan3A_107  : i32 {
          %mul3A_125 = arith.constant 2 : i32
          %mul3A_126 = arith.muli %mul3A_125, %scan3A_124 : i32
          %add3A_127 = arith.constant 1 : i32
          %add3A_128 = arith.addi %mul3A_126, %add3A_127 : i32
          %broadcast_in_dim3A_129 = vector.broadcast %add3A_128 : i32 to vector<16xi32>
          %add3A_130 = arith.constant 56 : i32
          %add3A_131 = arith.addi %add3A_130, %scan3A_124 : i32
          %get3A = arith.index_cast %add3A_131 : i32 to index
          %get3A_132 = arith.constant 0 : index
          %get3A_133 = tpu.vector_load %arg5[%get3A, %get3A_132] {strides = array<i32>} : memref<112x112xf32, #tpu.memory_space<vmem>>, vector<16xf32>,
          %add3A_134 = arith.constant 1 : i32
          %add3A_135 = vector.broadcast %add3A_134 : i32 to vector<16xi32>
          %add3A_136 = arith.addi %add3A_135, %mul3A_5 : vector<16xi32>
          tpu.vector_store_idx %arg7[%broadcast_in_dim3A_129, %add3A_136], %get3A_133 : memref<112x224xf32, #tpu.memory_space<vmem>>[vector<16xi32>, vector<16xi32>], vector<16xf32>,
          %add3A_137 = arith.constant 56 : i32
          %add3A_138 = arith.addi %add3A_137, %scan3A_124 : i32
          %get3A_139 = arith.index_cast %add3A_138 : i32 to index
          %get3A_140 = arith.constant 16 : index
          %get3A_141 = tpu.vector_load %arg5[%get3A_139, %get3A_140] {strides = array<i32>} : memref<112x112xf32, #tpu.memory_space<vmem>>, vector<16xf32>,
          %add3A_142 = arith.constant 33 : i32
          %add3A_143 = vector.broadcast %add3A_142 : i32 to vector<16xi32>
          %add3A_144 = arith.addi %add3A_143, %mul3A_5 : vector<16xi32>
          tpu.vector_store_idx %arg7[%broadcast_in_dim3A_129, %add3A_144], %get3A_141 : memref<112x224xf32, #tpu.memory_space<vmem>>[vector<16xi32>, vector<16xi32>], vector<16xf32>,
          %add3A_145 = arith.constant 56 : i32
          %add3A_146 = arith.addi %add3A_145, %scan3A_124 : i32
          %get3A_147 = arith.index_cast %add3A_146 : i32 to index
          %get3A_148 = arith.constant 32 : index
          %get3A_149 = tpu.vector_load %arg5[%get3A_147, %get3A_148] {strides = array<i32>} : memref<112x112xf32, #tpu.memory_space<vmem>>, vector<16xf32>,
          %add3A_150 = arith.constant 65 : i32
          %add3A_151 = vector.broadcast %add3A_150 : i32 to vector<16xi32>
          %add3A_152 = arith.addi %add3A_151, %mul3A_5 : vector<16xi32>
          tpu.vector_store_idx %arg7[%broadcast_in_dim3A_129, %add3A_152], %get3A_149 : memref<112x224xf32, #tpu.memory_space<vmem>>[vector<16xi32>, vector<16xi32>], vector<16xf32>,
          %add3A_153 = arith.constant 56 : i32
          %add3A_154 = arith.addi %add3A_153, %scan3A_124 : i32
          %get3A_155 = arith.index_cast %add3A_154 : i32 to index
          %get3A_156 = arith.constant 48 : index
          %get3A_157 = tpu.vector_load %arg5[%get3A_155, %get3A_156] {strides = array<i32>} : memref<112x112xf32, #tpu.memory_space<vmem>>, vector<16xf32>,
          %add3A_158 = arith.constant 97 : i32
          %add3A_159 = vector.broadcast %add3A_158 : i32 to vector<16xi32>
          %add3A_160 = arith.addi %add3A_159, %mul3A_5 : vector<16xi32>
          tpu.vector_store_idx %arg7[%broadcast_in_dim3A_129, %add3A_160], %get3A_157 : memref<112x224xf32, #tpu.memory_space<vmem>>[vector<16xi32>, vector<16xi32>], vector<16xf32>,
          %add3A_161 = arith.constant 56 : i32
          %add3A_162 = arith.addi %add3A_161, %scan3A_124 : i32
          %get3A_163 = arith.index_cast %add3A_162 : i32 to index
          %get3A_164 = arith.constant 64 : index
          %get3A_165 = tpu.vector_load %arg5[%get3A_163, %get3A_164] {strides = array<i32>} : memref<112x112xf32, #tpu.memory_space<vmem>>, vector<16xf32>,
          %add3A_166 = arith.constant 129 : i32
          %add3A_167 = vector.broadcast %add3A_166 : i32 to vector<16xi32>
          %add3A_168 = arith.addi %add3A_167, %mul3A_5 : vector<16xi32>
          tpu.vector_store_idx %arg7[%broadcast_in_dim3A_129, %add3A_168], %get3A_165 : memref<112x224xf32, #tpu.memory_space<vmem>>[vector<16xi32>, vector<16xi32>], vector<16xf32>,
          %add3A_169 = arith.constant 56 : i32
          %add3A_170 = arith.addi %add3A_169, %scan3A_124 : i32
          %get3A_171 = arith.index_cast %add3A_170 : i32 to index
          %get3A_172 = arith.constant 80 : index
          %get3A_173 = tpu.vector_load %arg5[%get3A_171, %get3A_172] {strides = array<i32>} : memref<112x112xf32, #tpu.memory_space<vmem>>, vector<16xf32>,
          %add3A_174 = arith.constant 161 : i32
          %add3A_175 = vector.broadcast %add3A_174 : i32 to vector<16xi32>
          %add3A_176 = arith.addi %add3A_175, %mul3A_5 : vector<16xi32>
          tpu.vector_store_idx %arg7[%broadcast_in_dim3A_129, %add3A_176], %get3A_173 : memref<112x224xf32, #tpu.memory_space<vmem>>[vector<16xi32>, vector<16xi32>], vector<16xf32>,
          %add3A_177 = arith.constant 56 : i32
          %add3A_178 = arith.addi %add3A_177, %scan3A_124 : i32
          %get3A_179 = arith.index_cast %add3A_178 : i32 to index
          %get3A_180 = arith.constant 96 : index
          %get3A_181 = tpu.vector_load %arg5[%get3A_179, %get3A_180] {strides = array<i32>} : memref<112x112xf32, #tpu.memory_space<vmem>>, vector<16xf32>,
          %add3A_182 = arith.constant 193 : i32
          %add3A_183 = vector.broadcast %add3A_182 : i32 to vector<16xi32>
          %add3A_184 = arith.addi %add3A_183, %mul3A_5 : vector<16xi32>
          tpu.vector_store_idx %arg7[%broadcast_in_dim3A_129, %add3A_184], %get3A_181 : memref<112x224xf32, #tpu.memory_space<vmem>>[vector<16xi32>, vector<16xi32>], vector<16xf32>,
        }
        %scan3A_108 = arith.constant 56 : i32
        %dma_start3A_109 = arith.constant 112 : i32
        %dma_start3A_110 = arith.constant 0 : i32
        %dma_start3A_111 = tpu.memref_slice %arg3[%add3A_63, %dma_start3A_109, %dma_start3A_110] : memref<1536x224x224xf32, #tpu.memory_space<hbm>> -> memref<1x112x224xf32, #tpu.memory_space<hbm>>
        %dma_start3A_112 = tpu.memref_squeeze %dma_start3A_111 : memref<1x112x224xf32, #tpu.memory_space<hbm>> -> memref<112x224xf32, #tpu.memory_space<hbm>>
        %dma_start3A_113 = arith.constant 112 : i32
        %dma_start3A_114 = arith.constant 0 : i32
        %dma_start3A_115 = tpu.memref_slice %arg3[%add3A_63, %dma_start3A_113, %dma_start3A_114] : memref<1536x224x224xf32, #tpu.memory_space<hbm>> -> memref<1x112x224xf32, #tpu.memory_space<hbm>>
        %dma_start3A_116 = tpu.memref_squeeze %dma_start3A_115 : memref<1x112x224xf32, #tpu.memory_space<hbm>> -> memref<112x224xf32, #tpu.memory_space<hbm>>
        tpu.enqueue_dma source(%arg7 : memref<112x224xf32, #tpu.memory_space<vmem>>) target(%dma_start3A_116 : memref<112x224xf32, #tpu.memory_space<hbm>>) target_semaphore(%arg11 : memref<!tpu.dma_semaphore, #tpu.memory_space<semaphore_mem>>)
        %add3A_117 = arith.constant 2 : i32
        %add3A_118 = arith.addi %scan3A_53, %add3A_117 : i32
        %lt3A_119 = arith.constant 48 : i32
        %lt3A_120 = arith.cmpi slt, %add3A_118, %lt3A_119 : i32
        %convert_element_type3A_121 = arith.extui %lt3A_120 : i1 to i32
        %cond3A_122 = arith.constant 0 : i32
        %cond3A_123 = arith.cmpi ne, %convert_element_type3A_121, %cond3A_122 : i32
        scf.if %cond3A_123 {
          %add3A_124 = arith.constant 2 : i32
          %add3A_125 = arith.addi %add3A_63, %add3A_124 : i32
          %dma_start3A_126 = arith.constant 0 : i32
          %dma_start3A_127 = arith.constant 0 : i32
          %dma_start3A_128 = tpu.memref_slice %arg2[%add3A_125, %dma_start3A_126, %dma_start3A_127] : memref<1536x112x112xf32, #tpu.memory_space<hbm>> -> memref<1x112x112xf32, #tpu.memory_space<hbm>>
          %dma_start3A_129 = tpu.memref_squeeze %dma_start3A_128 : memref<1x112x112xf32, #tpu.memory_space<hbm>> -> memref<112x112xf32, #tpu.memory_space<hbm>>
          %dma_start3A_130 = arith.constant 0 : i32
          %dma_start3A_131 = arith.constant 0 : i32
          %dma_start3A_132 = tpu.memref_slice %arg2[%add3A_125, %dma_start3A_130, %dma_start3A_131] : memref<1536x112x112xf32, #tpu.memory_space<hbm>> -> memref<1x112x112xf32, #tpu.memory_space<hbm>>
          %dma_start3A_133 = tpu.memref_squeeze %dma_start3A_132 : memref<1x112x112xf32, #tpu.memory_space<hbm>> -> memref<112x112xf32, #tpu.memory_space<hbm>>
          tpu.enqueue_dma source(%dma_start3A_133 : memref<112x112xf32, #tpu.memory_space<hbm>>) target(%arg5 : memref<112x112xf32, #tpu.memory_space<vmem>>) target_semaphore(%arg9 : memref<!tpu.dma_semaphore, #tpu.memory_space<semaphore_mem>>)
        } else {
        }
      } else {
      }
    }
    %scan3A_34 = arith.constant 48 : i32
    %add3A_35 = arith.constant 48 : i32
    %add3A_36 = arith.addi %mul3A_2, %add3A_35 : i32
    %sub3A = arith.constant 1 : i32
    %sub3A_37 = arith.subi %add3A_36, %sub3A : i32
    %dma_wait3A = arith.constant 0 : i32
    %dma_wait3A_38 = arith.constant 0 : i32
    %dma_wait3A_39 = tpu.memref_slice %arg3[%sub3A_37, %dma_wait3A, %dma_wait3A_38] : memref<1536x224x224xf32, #tpu.memory_space<hbm>> -> memref<1x112x224xf32, #tpu.memory_space<hbm>>
    %dma_wait3A_40 = tpu.memref_squeeze %dma_wait3A_39 : memref<1x112x224xf32, #tpu.memory_space<hbm>> -> memref<112x224xf32, #tpu.memory_space<hbm>>
    %dma_wait3A_41 = arith.constant 0 : i32
    %dma_wait3A_42 = arith.constant 0 : i32
    %dma_wait3A_43 = tpu.memref_slice %arg3[%sub3A_37, %dma_wait3A_41, %dma_wait3A_42] : memref<1536x224x224xf32, #tpu.memory_space<hbm>> -> memref<1x112x224xf32, #tpu.memory_space<hbm>>
    %dma_wait3A_44 = tpu.memref_squeeze %dma_wait3A_43 : memref<1x112x224xf32, #tpu.memory_space<hbm>> -> memref<112x224xf32, #tpu.memory_space<hbm>>
    tpu.wait_dma2 semaphore(%arg10 : memref<!tpu.dma_semaphore, #tpu.memory_space<semaphore_mem>>) src(%arg6 : memref<112x224xf32, #tpu.memory_space<vmem>>) dst(%dma_wait3A_44 : memref<112x224xf32, #tpu.memory_space<hbm>>)
    %dma_wait3A_45 = arith.constant 112 : i32
    %dma_wait3A_46 = arith.constant 0 : i32
    %dma_wait3A_47 = tpu.memref_slice %arg3[%sub3A_37, %dma_wait3A_45, %dma_wait3A_46] : memref<1536x224x224xf32, #tpu.memory_space<hbm>> -> memref<1x112x224xf32, #tpu.memory_space<hbm>>
    %dma_wait3A_48 = tpu.memref_squeeze %dma_wait3A_47 : memref<1x112x224xf32, #tpu.memory_space<hbm>> -> memref<112x224xf32, #tpu.memory_space<hbm>>
    %dma_wait3A_49 = arith.constant 112 : i32
    %dma_wait3A_50 = arith.constant 0 : i32
    %dma_wait3A_51 = tpu.memref_slice %arg3[%sub3A_37, %dma_wait3A_49, %dma_wait3A_50] : memref<1536x224x224xf32, #tpu.memory_space<hbm>> -> memref<1x112x224xf32, #tpu.memory_space<hbm>>
    %dma_wait3A_52 = tpu.memref_squeeze %dma_wait3A_51 : memref<1x112x224xf32, #tpu.memory_space<hbm>> -> memref<112x224xf32, #tpu.memory_space<hbm>>
    tpu.wait_dma2 semaphore(%arg11 : memref<!tpu.dma_semaphore, #tpu.memory_space<semaphore_mem>>) src(%arg7 : memref<112x224xf32, #tpu.memory_space<vmem>>) dst(%dma_wait3A_52 : memref<112x224xf32, #tpu.memory_space<hbm>>)
    return
  }
}

</mosaic_0001>

<sc_bundles>
// kernel: kernel.3.cloned.1.call-start
scs
__scs_entry_jumppad:
0x0: {  	(pc) =	sbr.rel $0x88, $3  }
0x1: {  	(tag) =	ssettag $0x0;
	lr =	simm.s32 $0x1  }
0x2: {  	[smem:$0x3FA0] =	sst lr;
	_ =	strace $0xD0000000  }
0x3: {  	_ = 	snop  }
0x4: {  	_ = 	snop  }
0x5: {  	_ = 	snop  }
0x6: {  	_ = 	snop  }
0x7: {  	_ = 	snop  }
__scs_overlays_trampoline_lowered:
0x8: {  	[smem:$0x3FAF] =	sst s0  }
0x9: {  	[smem:$0x3FB0] =	sst s1  }
0xa: {  	[smem:$0x3FB1] =	sst s2  }
0xb: {  	[smem:$0x3FB2] =	sst s3  }
0xc: {  	[smem:$0x3FB3] =	sst s4  }
0xd: {  	[smem:$0x3FB4] =	sst s5  }
0xe: {  	[smem:$0x3FB5] =	sst s6  }
0xf: {  	[smem:$0x3FB6] =	sst s7  }
0x10: {  	[smem:$0x3FB7] =	sst s8  }
0x11: {  	[smem:$0x3FB8] =	sst s9;
	s0 =	simm.s32 @!p0 $0x0  }
0x12: {  	s1 =	sld [smem:$0x3F9E];
	s0 =	simm.s32 @p0 $0x1  }
0x13: {  	[smem:$0x3FB9] =	sst s0;
	s0 =	simm.s32 @!p1 $0x0  }
0x14: {  	s2 =	sld [smem:$0x3F9D];
	s0 =	simm.s32 @p1 $0x1  }
0x15: {  	[smem:$0x3FBA] =	sst s0;
	s0 =	simm.s32 @!p2 $0x0  }
0x16: {  	s3 =	sld [smem:$0x3FDB];
	s0 =	simm.s32 @p2 $0x1  }
0x17: {  	s4 =	simm.s32 $0x1BF5;
	[smem:$0x3FBC] =	sst s0  }
0x18: {  	s0 =	sld [smem:$0x3F9F];
	_ =	swait.ge [sflag:s4], $0x0  }
0x19: {  	s7 =	sld [smem:$0x3FA0]  }
0x1a: {  	s8 =	sadd.s32 $0xFFFFE003, lr  }
0x1b: {  	s9 =	sadd.s32 $0xFFFFFEF7, lr;
	s5 =	simm.s32 $0xFFFFFFFF;
	p2 =	slt.u32 s8, $0xFFFFF086  }
0x1c: {  	p1 =	slt.u32 s9, $0xF7A;
	s5 =	simm.s32 @!p2 $0x0  }
0x1d: {  	s5 =	simm.s32 @p1 $0x1;
	p0 =	seq.s32 s7, s2  }
0x1e: {  	s7 =	smul.u32 @!p0 $0xF7A, s2;
	p2 =	seq.s32 @!p0 s5, $0x0  }
0x1f: {  	s9 =	smul.u32 $0xF7A, s1;
	s8 =	simm.s32 @!p0 $0x1BF5;
	p2 =	por !p2, p0  }
0x20: {  	[sflag:s8] =	ssyncset.s32 @!p0 $0xFFFFF086;
	s6 =	sadd.s32 @!p0 s3, s7;
	s7 =	simm.s32 @!p0 $0x108  }
0x21: {  	s3 =	sadd.s32 s3, s9;
	s6 =	sadd.s32 @!p0 $0x88, s6;
	s7 =	simm.s32 @p2 $0x1082  }
0x22: {  	[simem:s7], [sflag:s8] =	dma.local @!p0 [hbm:s6], $0xF7A  }
0x23: {  	s9 =	sor.u32 $0xD0000000, s2;
	s6 =	simm.s32 $0x108;
	_ =	swait.ge @!p0 [sflag:s8], $0x0  }
0x24: {  	s3 =	sadd.s32 $0x88, s3;
	s6 =	simm.s32 @!p1 $0x1082;
	[sflag:s4] =	ssyncset.s32 $0xFFFFF086  }
0x25: {  	[simem:s6], [sflag:s4] =	dma.local [hbm:s3], $0xF7A  }
0x26: {  	[smem:$0x3FA0] =	sst s1;
	(tag) =	ssettag s2;
	_ =	strace s9  }
0x27: {  	s1 =	sld [smem:$0x3FB0]  }
0x28: {  	s2 =	sld [smem:$0x3FB1]  }
0x29: {  	s4 =	sld [smem:$0x3FB3]  }
0x2a: {  	p0 =	seq.s32 s5, $0x0;
	s5 =	sld [smem:$0x3FB4]  }
0x2b: {  	s6 =	sld [smem:$0x3FB5]  }
0x2c: {  	s7 =	sld [smem:$0x3FB6]  }
0x2d: {  	s3 =	simm.s32 $0x108;
	s8 =	sld [smem:$0x3FB7]  }
0x2e: {  	s3 =	simm.s32 @!p0 $0x1082;
	s9 =	sld [smem:$0x3FB8]  }
0x2f: {  	lr =	sadd.s32 s0, s3;
	s0 =	sld [smem:$0x3FAF]  }
0x30: {  	s3 =	sld [smem:$0x3FB2]  }
0x31: {  	[smem:$0x3FBB] =	sst s10  }
0x32: {  	s10 =	sld [smem:$0x3FB9];
	_ =	sdelay $0x3  }
0x33: {  	p0 =	seq.s32 s10, $0x1;
	s10 =	sld [smem:$0x3FBB];
	_ =	sdelay $0x3  }
0x34: {  	[smem:$0x3FBB] =	sst s10  }
0x35: {  	s10 =	sld [smem:$0x3FBA];
	_ =	sdelay $0x3  }
0x36: {  	p1 =	seq.s32 s10, $0x1;
	s10 =	sld [smem:$0x3FBB];
	_ =	sdelay $0x3  }
0x37: {  	[smem:$0x3FBB] =	sst s10  }
0x38: {  	s10 =	sld [smem:$0x3FBC]  }
0x39: {  	_ = 	snop;
	(pc) =	sbr.ind lr, $3  }
0x3a: {  	_ = 	snop  }
0x3b: {  	_ = 	snop  }
0x3c: {  	p2 =	seq.s32 s10, $0x1;
	s10 =	sld [smem:$0x3FBB]  }
0x3d: {  	_ =	shalt  }
0x3e: {  	_ =	shalt  }
0x3f: {  	_ =	shalt  }
0x40: {  	_ =	shalt  }
0x41: {  	_ =	shalt  }
0x42: {  	_ =	shalt  }
0x43: {  	_ =	shalt  }
0x44: {  	_ =	shalt  }
0x45: {  	_ =	shalt  }
0x46: {  	_ =	shalt  }
0x47: {  	_ =	shalt  }
0x48: {  	_ =	shalt  }
0x49: {  	_ =	shalt  }
0x4a: {  	_ =	shalt  }
0x4b: {  	_ =	shalt  }
0x4c: {  	_ =	shalt  }
0x4d: {  	_ =	shalt  }
0x4e: {  	_ =	shalt  }
0x4f: {  	_ =	shalt  }
0x50: {  	_ =	shalt  }
0x51: {  	_ =	shalt  }
0x52: {  	_ =	shalt  }
0x53: {  	_ =	shalt  }
0x54: {  	_ =	shalt  }
0x55: {  	_ =	shalt  }
0x56: {  	_ =	shalt  }
0x57: {  	_ =	shalt  }
0x58: {  	_ =	shalt  }
0x59: {  	_ =	shalt  }
0x5a: {  	_ =	shalt  }
0x5b: {  	_ =	shalt  }
0x5c: {  	_ =	shalt  }
0x5d: {  	_ =	shalt  }
0x5e: {  	_ =	shalt  }
0x5f: {  	_ =	shalt  }
0x60: {  	_ =	shalt  }
0x61: {  	_ =	shalt  }
0x62: {  	_ =	shalt  }
0x63: {  	_ =	shalt  }
0x64: {  	_ =	shalt  }
0x65: {  	_ =	shalt  }
0x66: {  	_ =	shalt  }
0x67: {  	_ =	shalt  }
0x68: {  	_ =	shalt  }
0x69: {  	_ =	shalt  }
0x6a: {  	_ =	shalt  }
0x6b: {  	_ =	shalt  }
0x6c: {  	_ =	shalt  }
0x6d: {  	_ =	shalt  }
0x6e: {  	_ =	shalt  }
0x6f: {  	_ =	shalt  }
0x70: {  	_ =	shalt  }
0x71: {  	_ =	shalt  }
0x72: {  	_ =	shalt  }
0x73: {  	_ =	shalt  }
0x74: {  	_ =	shalt  }
0x75: {  	_ =	shalt  }
0x76: {  	_ =	shalt  }
0x77: {  	_ =	shalt  }
0x78: {  	_ =	shalt  }
0x79: {  	_ =	shalt  }
0x7a: {  	_ =	shalt  }
0x7b: {  	_ =	shalt  }
0x7c: {  	_ =	shalt  }
0x7d: {  	_ =	shalt  }
0x7e: {  	_ =	shalt  }
0x7f: {  	_ =	shalt  }
0x80: {  	_ =	shalt  }
0x81: {  	_ =	shalt  }
0x82: {  	_ =	shalt  }
0x83: {  	_ =	shalt  }
0x84: {  	_ =	shalt  }
0x85: {  	_ =	shalt  }
0x86: {  	_ =	shalt  }
0x87: {  	_ =	shalt  }
.Lfunc_end0:
.L_simem_size_0:
called_computation_lowered:
.L_overlay_start_0:
0x88: {  	s2 =	sld [smem:$0x3FD9]  }
0x89: {  	s3 =	sld [smem:$0x3FFE];
	_ =	sdelay $0x1  }
0x8a: {  	s1 =	srdreg.scid  }
0x8b: {  	s0 =	sand.u32 $0x1, s1  }
0x8c: {  	s18 =	sshll.u32 s0, $0xA;
	s2 =	sadd.s32 s3, s2  }
0x8d: {  	s2 =	sadd.s32 s2, s18  }
0x8e: {  	[smem:$0x3FC7] =	sst s2  }
0x8f: {  	_ = 	snop  }
0x90: {  	s2 =	sld [smem:$0x3FC9]  }
0x91: {  	s19 =	sld [smem:$0x3FD0];
	(tm) =	ssettm $0x1  }
0x92: {  	s4 =	sld [smem:$0x3FFB];
	_ =	sdelay $0x3  }
0x93: {  	_ =	strace s4  }
0x94: {  	s4 =	sld [smem:$0x3FFC];
	_ =	sdelay $0x3  }
0x95: {  	_ =	strace s4  }
0x96: {  	s4 =	sld [smem:$0x3FFD];
	_ =	sdelay $0x3  }
0x97: {  	_ =	strace s4  }
0x98: {  	_ =	strace $0x8FFFFFFF  }
0x99: {  	s20 =	sld [smem:$0x3FDB];
	_ =	sdelay $0x1  }
0x9a: {  	s5 =	simm.s32 $_scs_section_size  }
0x9b: {  	s6 =	simm.s32 $_size__tile_overlayer_lowered;
	s7 =	simm.s32 $_tile_overlayer_lowered  }
0x9c: {  	s23 =	simm.s32 $0x1BFF;
	s22 =	sshll.u32 s7, $0x1;
	s4 =	sadd.s32 s5, s20  }
0x9d: {  	s8 =	simm.s32 $0x0;
	s21 =	sshll.u32 s6, $0x1;
	s6 =	sadd.s32 s22, s4  }
0x9e: {  	[timem:s8], [sflag:s23] =	dma.local [hbm:s6], s21  }
0x9f: {  	_ =	swait.ge [sflag:s23], s21  }
0xa0: {  	s5 =	ssub.s32 $0x0, s21;
	[sflag:s23] =	ssyncset.done $0x0  }
0xa1: {  	[sflag:s23] =	ssyncadd.s32 s5;
	_ =	sdelay $0x1  }
0xa2: {  	s24 =	simm.s32 $0x1B8B  }
0xa3: {  	_ =	swait.ge [sflag:s24], $0x1  }
0xa4: {  	[sflag:s24] =	ssyncset.done $0x0  }
0xa5: {  	s25 =	simm.s32 $0x1B8E;
	[sflag:s24] =	ssyncadd.s32 $0xFFFFFFFF  }
0xa6: {  	s26 =	simm.s32 $execute0_lowered;
	[smem:$0x3FD2] =	sst s25  }
0xa7: {  	s5 =	sshll.u32 s26, $0x1;
	_ =	strace $0x80000046;
	[dreg:$0x1] =	wrdreg $0xFFFFFFFF  }
0xa8: {  	s28 =	simm.s32 $_size_execute0_lowered;
	s4 =	sadd.s32 s4, s5;
	[dreg:$0x0] =	wrdreg $0x0  }
0xa9: {  	s5 =	sshll.u32 s28, $0x1;
	[dreg:$0x2] =	wrdreg s4  }
0xaa: {  	[dreg:$0x3] =	wrdreg s5  }
0xab: {  	[dreg:$0x4] =	wrdreg $0xC0  }
0xac: {  	_ =	task [dreg:s8], $0x5FFFF  }
0xad: {  	[dreg:$0x1] =	wrdreg $0xFFFFFFFF  }
0xae: {  	[dreg:$0x0] =	wrdreg $0x60  }
0xaf: {  	[dreg:$0x2] =	wrdreg s2  }
0xb0: {  	[dreg:$0x3] =	wrdreg s19  }
0xb1: {  	[dreg:$0x4] =	wrdreg $0x9  }
0xb2: {  	_ =	task.clear_ibuf [dreg:s8], $0x5FFFF;
	_ =	strace $0x90000046  }
0xb3: {  	s29 =	simm.s32 $0x9;
	_ =	strace $0x80000048  }
0xb4: {  	_ =	swait.ge [sflag:s29], $0x1  }
0xb5: {  	[sflag:s29] =	ssyncadd.s32 $0xFFFFFFFF  }
0xb6: {  	_ =	strace $0x90000048  }
0xb7: {  	_ =	sfence  }
0xb8: {  	s30 =	sld [smem:$0x0];
	_ =	sdelay $0x2  }
0xb9: {  	s31 =	sshll.u32 s1, $0xD;
	s1 =	sshrl.u32 s1, $0x2  }
0xba: {  	s3 =	sand.u32 $0x4000, s31;
	s1 =	sadd.s32 s1, s30  }
0xbb: {  	s0 =	sor.u32 s3, s0;
	s1 =	sshll.u32 s1, $0x11  }
0xbc: {  	s0 =	sor.u32 s1, s0  }
0xbd: {  	s0 =	sadd.s32 $0x8F2B, s0  }
0xbe: {  	[sflag:s0] =	ssyncadd.remote.s32 $0x1  }
0xbf: {  	_ =	sfence.sel $0xFFFF  }
0xc0: {  	[dreg:$0x0] =	wrdreg $0xFFFFFFFF;
	(pc) =	sbr.abs _section_cstart, $3  }
0xc1: {  	[dreg:$0x1] =	wrdreg $0xFFFFFFFF  }
0xc2: {  	_ =	task.clear_ibuf [dreg:s8], $0x2FFFF;
	_ =	strace $0x9FFFFFFF  }
0xc3: {  	(tm) =	ssettm $0x7FFFFFFF  }
tec
execute0_lowered:
.L_overlay_start_1:
0x0: {  	(tag) =	ssettag $0x1  }
0x1: {  	s1 =	srdreg.scid;
	s2 =	rddreg [dreg:$0x0]  }
0x2: {  	s0 =	stileid.u32;
	s3 =	rddreg [dreg:$0x1]  }
0x3: {  	s4 =	simm.s32 $0x0;
	s10 =	simm.s32 $0x2;
	s11 =	simm.s32 $0x3  }
0x4: {  	s12 =	simm.s32 $0x7000;
	s13 =	simm.s32 $0x4;
	s14 =	simm.s32 $0xE000  }
0x5: {  	v0 =	vlaneseq.u32;
	s15 =	simm.s32 $0x1;
	s5 =	sand.u32 $0x1, s1;
	s31 =	sshll.u32 s0, $0x1  }
.Ltmp0:
0x6: {  	s16 =	simm.s32 $0x0;
	v7 =	vmul.u32 $0x2, v0;
	s6 =	sor.u32 s5, s31;
	(pc) =	sbr.rel .LBB2_1-.Ltmp0, $4  }
0x7: {  	[smem:$0x7FF] =	sst s4;
	s8 =	ssub.s32 $0x2, s5;
	s7 =	smul.u32 $0x15000, s6  }
0x8: {  	s1 =	rddreg [dreg:$0x2];
	v0 =	vimm.f32 $0.0e+00;
	_ =	strace $0x80000047;
	s9 =	sshrl.u32 s8, $0x1;
	v1 =	vor.u32 $0x1, v7  }
0x9: {  	s6 =	smul.u32 $0x30, s6;
	v2 =	vor.u32 $0x21, v7;
	v3 =	vor.u32 $0x41, v7;
	v4 =	vor.u32 $0x61, v7;
	s8 =	ssub.s32 s8, s9;
	s5 =	sadd.s32 s2, s7  }
0xa: {  	v5 =	vor.u32 $0x401, v7;
	v6 =	vor.u32 $0x421, v7;
	v7 =	vor.u32 $0x441, v7;
	s9 =	simm.s32 $0x3800;
	s8 =	smax.u32 s8, $0x1;
	s7 =	sadd.s32 $0x700, s5  }
.LBB2_18:
0xb: {  	s16 =	sadd.s32 $0x1, s16  }
0xc: {  	_ =	swait.ge [sflag:s11], $0x7000;
	p0 =	sne.s32 s16, s8  }
.Ltmp1:
0xd: {  	[sflag:s11] =	ssyncset.done $0x0;
	(pc) =	sbr.rel @!p0 .LBB2_19-.Ltmp1, $4  }
0xe: {  	[sflag:s11] =	ssyncadd.s32 $0xFFFF9000  }
0xf: {  	_ =	swait.ge [sflag:s13], $0x7000  }
0x10: {  	[sflag:s13] =	ssyncset.done $0x0  }
0x11: {  	[sflag:s13] =	ssyncadd.s32 $0xFFFF9000  }
.LBB2_1:
0x12: {  	s17 =	simm.s32 $0x0  }
.LBB2_2:
0x13: {  	s18 =	sshll.u32 s17, $0x8;
	s19 =	sshll.u32 s17, $0x7  }
0x14: {  	s20 =	sand.u32 $0x7800, s18;
	s19 =	sand.u32 $0x380, s19;
	s18 =	simm.s32 $0x0  }
0x15: {  	s19 =	sor.u32 s20, s19;
	s31 =	sand.u32 $0x400, s18  }
0x16: {  	s21 =	sand.u32 $0x70, s18;
	s22 =	sor.u32 s31, s19  }
0x17: {  	s20 =	simm.s32 $0x10;
	s21 =	sor.u32 s21, s22  }
.LBB2_3:
0x18: {  	p0 =	sne.s32 s20, $0xD0  }
0x19: {  	[tilespmem:s21+$0x7000] =	vst v0;
	s18 =	sadd.s32 $0x80, s18;
	s22 =	smov.u32 s20;
	s20 =	sadd.s32 $0x10, s20  }
.Ltmp2:
0x1a: {  	[tilespmem:s21+$0xE000] =	vst v0;
	(pc) =	sbr.rel @p0 .LBB2_3-.Ltmp2, $4  }
0x1b: {  	_ = 	snop  }
0x1c: {  	s21 =	sand.u32 $0x400, s18  }
0x1d: {  	s22 =	sand.u32 $0x70, s22;
	s21 =	sor.u32 s21, s19  }
0x1e: {  	s21 =	sor.u32 s22, s21  }
0x1f: {  	s17 =	sadd.s32 $0x1, s17  }
0x20: {  	p0 =	sne.s32 s17, $0x70  }
.Ltmp3:
0x21: {  	_ = 	snop;
	(pc) =	sbr.rel @p0 .LBB2_2-.Ltmp3, $3  }
0x22: {  	_ =	sdelay $0x1  }
0x23: {  	[tilespmem:s21+$0x7000] =	vst v0  }
0x24: {  	[tilespmem:s21+$0xE000] =	vst v0  }
.Ltmp4:
0x25: {  	(pc) =	sbr.rel .LBB2_6-.Ltmp4, $4  }
0x26: {  	s17 =	simm.s32 $0x0  }
0x27: {  	[tilespmem:s17], [sflag:$0x1] =	stream.linear.gather [hbm4b:s5+s17], $0x3800, $0x38;
	[tilespmem:$0x15000] =	vst v63  }
0x28: {  	_ = 	snop  }
0x29: {  	[tilespmem:s9], [sflag:$0x2] =	stream.linear.gather [hbm4b:s7+s17], $0x3800, $0x38;
	[tilespmem:$0x15000] =	vst v63  }
.LBB2_17:
0x2a: {  	s17 =	sadd.s32 $0x1, s17  }
0x2b: {  	p0 =	sne.s32 s17, $0x30  }
.Ltmp5:
0x2c: {  	_ = 	snop;
	(pc) =	sbr.rel @!p0 .LBB2_18-.Ltmp5, $1  }
0x2d: {  	_ =	sdelay $0x3  }
.LBB2_6:
0x2e: {  	s19 =	sand.u32 $0x1, s17  }
0x2f: {  	p0 =	seq.s32 s19, $0x1  }
.Ltmp6:
0x30: {  	_ = 	snop;
	(pc) =	sbr.rel @p0 .LBB2_12-.Ltmp6, $2  }
0x31: {  	_ =	sdelay $0x2  }
0x32: {  	s18 =	sadd.s32 s6, s17  }
0x33: {  	_ =	swait.ge [sflag:s15], $0x3800  }
0x34: {  	p0 =	seq.s32 s17, $0x0;
	s20 =	simm.s32 $0x1;
	[sflag:s15] =	ssyncset.done $0x0  }
0x35: {  	s21 =	simm.s32 @!p0 $0x3;
	v8 =	vmov s20;
	[sflag:s15] =	ssyncadd.s32 $0xFFFFC800  }
0x36: {  	v9 =	vshll.u32 v8, $0x8;
	v8 =	vshll.u32 v8, $0x7;
	_ =	swait.ge @!p0 [sflag:s21], $0x7000  }
0x37: {  	v9 =	vand.u32 $0x7800, v9;
	v8 =	vand.u32 $0x380, v8;
	[sflag:s21] =	ssyncset.done @!p0 $0x0  }
0x38: {  	s20 =	simm.s32 $0x30;
	v9 =	vor.u32 v8, v9;
	[sflag:s21] =	ssyncadd.s32 @!p0 $0xFFFF9000  }
0x39: {  	v10 =	vor.u32 v1, v9;
	v8 =	vld [tilespmem:s20+$0xFFFFFFD0];
	_ =	sdelay $0x4  }
0x3a: {  	[tilespmem:v10+s12+$0x0] =	vst.idx.msk $0xffff, v8  }
0x3b: {  	v10 =	vor.u32 v2, v9;
	v8 =	vld [tilespmem:s20+$0xFFFFFFE0];
	_ =	sdelay $0x4  }
0x3c: {  	[tilespmem:v10+s12+$0x0] =	vst.idx.msk $0xffff, v8  }
0x3d: {  	v10 =	vor.u32 v3, v9;
	v8 =	vld [tilespmem:s20+$0xFFFFFFF0];
	_ =	sdelay $0x4  }
0x3e: {  	[tilespmem:v10+s12+$0x0] =	vst.idx.msk $0xffff, v8  }
0x3f: {  	v10 =	vor.u32 v4, v9;
	v8 =	vld [tilespmem:s20+$0x0];
	_ =	sdelay $0x4  }
0x40: {  	[tilespmem:v10+s12+$0x0] =	vst.idx.msk $0xffff, v8  }
0x41: {  	v10 =	vor.u32 v5, v9;
	v8 =	vld [tilespmem:s20+$0x10];
	_ =	sdelay $0x4  }
0x42: {  	[tilespmem:v10+s12+$0x0] =	vst.idx.msk $0xffff, v8  }
0x43: {  	v10 =	vor.u32 v6, v9;
	v8 =	vld [tilespmem:s20+$0x20];
	_ =	sdelay $0x4  }
0x44: {  	[tilespmem:v10+s12+$0x0] =	vst.idx.msk $0xffff, v8  }
0x45: {  	v9 =	vor.u32 v7, v9;
	v8 =	vld [tilespmem:s20+$0x30]  }
0x46: {  	s31 =	simm.s32 $0x3  }
0x47: {  	s21 =	simm.s32 $0x5;
	v10 =	vmov s31  }
.LBB2_8:
0x48: {  	p1 =	sne.s32 s21, $0x6F;
	v11 =	vshll.u32 v10, $0x8;
	v10 =	vshll.u32 v10, $0x7  }
0x49: {  	v11 =	vand.u32 $0x7800, v11;
	v10 =	vand.u32 $0x380, v10  }
0x4a: {  	s20 =	sadd.s32 $0x80, s20;
	v10 =	vor.u32 v10, v11;
	[tilespmem:v9+s12+$0x0] =	vst.idx.msk $0xffff, v8  }
0x4b: {  	v8 =	vld [tilespmem:s20+$0xFFFFFFD0];
	v9 =	vor.u32 v1, v10;
	_ =	sdelay $0x4  }
0x4c: {  	[tilespmem:v9+s12+$0x0] =	vst.idx.msk $0xffff, v8  }
0x4d: {  	v9 =	vor.u32 v2, v10;
	v8 =	vld [tilespmem:s20+$0xFFFFFFE0];
	_ =	sdelay $0x4  }
0x4e: {  	[tilespmem:v9+s12+$0x0] =	vst.idx.msk $0xffff, v8  }
0x4f: {  	v9 =	vor.u32 v3, v10;
	v8 =	vld [tilespmem:s20+$0xFFFFFFF0];
	_ =	sdelay $0x4  }
0x50: {  	[tilespmem:v9+s12+$0x0] =	vst.idx.msk $0xffff, v8  }
0x51: {  	v9 =	vor.u32 v4, v10;
	v8 =	vld [tilespmem:s20+$0x0];
	_ =	sdelay $0x4  }
0x52: {  	[tilespmem:v9+s12+$0x0] =	vst.idx.msk $0xffff, v8  }
0x53: {  	v9 =	vor.u32 v5, v10;
	v8 =	vld [tilespmem:s20+$0x10];
	_ =	sdelay $0x4  }
0x54: {  	[tilespmem:v9+s12+$0x0] =	vst.idx.msk $0xffff, v8  }
0x55: {  	v9 =	vor.u32 v6, v10;
	v8 =	vld [tilespmem:s20+$0x20];
	_ =	sdelay $0x3  }
.Ltmp7:
0x56: {  	(pc) =	sbr.rel @p1 .LBB2_8-.Ltmp7, $3  }
0x57: {  	[tilespmem:v9+s12+$0x0] =	vst.idx.msk $0xffff, v8  }
0x58: {  	v9 =	vor.u32 v7, v10;
	v8 =	vld [tilespmem:s20+$0x30];
	_ =	sdelay $0x1  }
0x59: {  	v10 =	vmov s21;
	s21 =	sadd.s32 $0x2, s21  }
0x5a: {  	_ =	sdelay $0x1  }
0x5b: {  	v11 =	vshll.u32 v10, $0x8;
	v10 =	vshll.u32 v10, $0x7  }
0x5c: {  	v11 =	vand.u32 $0x7800, v11;
	v10 =	vand.u32 $0x380, v10  }
0x5d: {  	s20 =	sadd.s32 $0x80, s20;
	v10 =	vor.u32 v10, v11;
	[tilespmem:v9+s12+$0x0] =	vst.idx.msk $0xffff, v8  }
0x5e: {  	v8 =	vld [tilespmem:s20+$0xFFFFFFD0];
	v9 =	vor.u32 v1, v10;
	_ =	sdelay $0x4  }
0x5f: {  	[tilespmem:v9+s12+$0x0] =	vst.idx.msk $0xffff, v8  }
0x60: {  	v9 =	vor.u32 v2, v10;
	v8 =	vld [tilespmem:s20+$0xFFFFFFE0];
	_ =	sdelay $0x4  }
0x61: {  	[tilespmem:v9+s12+$0x0] =	vst.idx.msk $0xffff, v8  }
0x62: {  	v9 =	vor.u32 v3, v10;
	v8 =	vld [tilespmem:s20+$0xFFFFFFF0];
	_ =	sdelay $0x4  }
0x63: {  	[tilespmem:v9+s12+$0x0] =	vst.idx.msk $0xffff, v8  }
0x64: {  	v9 =	vor.u32 v4, v10;
	v8 =	vld [tilespmem:s20+$0x0];
	_ =	sdelay $0x4  }
0x65: {  	[tilespmem:v9+s12+$0x0] =	vst.idx.msk $0xffff, v8  }
0x66: {  	v9 =	vor.u32 v5, v10;
	v8 =	vld [tilespmem:s20+$0x10];
	_ =	sdelay $0x4  }
0x67: {  	[tilespmem:v9+s12+$0x0] =	vst.idx.msk $0xffff, v8  }
0x68: {  	v9 =	vor.u32 v6, v10;
	v8 =	vld [tilespmem:s20+$0x20];
	_ =	sdelay $0x4  }
0x69: {  	[tilespmem:v9+s12+$0x0] =	vst.idx.msk $0xffff, v8  }
0x6a: {  	v9 =	vor.u32 v7, v10;
	v8 =	vld [tilespmem:s20+$0x30];
	_ =	sdelay $0x1  }
0x6b: {  	s30 =	smul.u32 $0xE000, s18;
	_ =	sdelay $0x1  }
0x6c: {  	s20 =	sshrl.u32 s30, $0x3  }
0x6d: {  	s21 =	simm.s32 $0x1;
	s22 =	simm.s32 @!p0 $0x4;
	s20 =	sadd.s32 s3, s20;
	[tilespmem:v9+s12+$0x0] =	vst.idx.msk $0xffff, v8  }
0x6e: {  	v8 =	vmov s21;
	[hbm4b:s20+s4] =	stream.linear.scatter [tilespmem:s12], [sflag:$0x3], $0x7000, $0x38;
	[tilespmem:$0x15000] =	vst v63  }
0x6f: {  	v9 =	vshll.u32 v8, $0x8;
	v8 =	vshll.u32 v8, $0x7;
	_ =	swait.ge @!p0 [sflag:s22], $0x7000  }
0x70: {  	v9 =	vand.u32 $0x7800, v9;
	v8 =	vand.u32 $0x380, v8;
	[sflag:s22] =	ssyncset.done @!p0 $0x0  }
0x71: {  	s21 =	simm.s32 $0x1C60;
	v9 =	vor.u32 v8, v9;
	[sflag:s22] =	ssyncadd.s32 @!p0 $0xFFFF9000  }
0x72: {  	v10 =	vor.u32 v1, v9;
	v8 =	vld [tilespmem:s21+$0xFFFFFFA0];
	_ =	sdelay $0x4  }
0x73: {  	[tilespmem:v10+s14+$0x0] =	vst.idx.msk $0xffff, v8  }
0x74: {  	v10 =	vor.u32 v2, v9;
	v8 =	vld [tilespmem:s21+$0xFFFFFFB0];
	_ =	sdelay $0x4  }
0x75: {  	[tilespmem:v10+s14+$0x0] =	vst.idx.msk $0xffff, v8  }
0x76: {  	v10 =	vor.u32 v3, v9;
	v8 =	vld [tilespmem:s21+$0xFFFFFFC0];
	_ =	sdelay $0x4  }
0x77: {  	[tilespmem:v10+s14+$0x0] =	vst.idx.msk $0xffff, v8  }
0x78: {  	v10 =	vor.u32 v4, v9;
	v8 =	vld [tilespmem:s21+$0xFFFFFFD0];
	_ =	sdelay $0x4  }
0x79: {  	[tilespmem:v10+s14+$0x0] =	vst.idx.msk $0xffff, v8  }
0x7a: {  	v10 =	vor.u32 v5, v9;
	v8 =	vld [tilespmem:s21+$0xFFFFFFE0];
	_ =	sdelay $0x4  }
0x7b: {  	[tilespmem:v10+s14+$0x0] =	vst.idx.msk $0xffff, v8  }
0x7c: {  	v10 =	vor.u32 v6, v9;
	v8 =	vld [tilespmem:s21+$0xFFFFFFF0];
	_ =	sdelay $0x4  }
0x7d: {  	[tilespmem:v10+s14+$0x0] =	vst.idx.msk $0xffff, v8  }
0x7e: {  	v9 =	vor.u32 v7, v9;
	v8 =	vld [tilespmem:s21+$0x0]  }
0x7f: {  	s31 =	simm.s32 $0x3  }
0x80: {  	s22 =	simm.s32 $0x5;
	v10 =	vmov s31  }
.LBB2_10:
0x81: {  	p0 =	sne.s32 s22, $0x6F;
	v11 =	vshll.u32 v10, $0x8;
	v10 =	vshll.u32 v10, $0x7  }
0x82: {  	v11 =	vand.u32 $0x7800, v11;
	v10 =	vand.u32 $0x380, v10  }
0x83: {  	s21 =	sadd.s32 $0x80, s21;
	v10 =	vor.u32 v10, v11;
	[tilespmem:v9+s14+$0x0] =	vst.idx.msk $0xffff, v8  }
0x84: {  	v8 =	vld [tilespmem:s21+$0xFFFFFFA0];
	v9 =	vor.u32 v1, v10;
	_ =	sdelay $0x4  }
0x85: {  	[tilespmem:v9+s14+$0x0] =	vst.idx.msk $0xffff, v8  }
0x86: {  	v9 =	vor.u32 v2, v10;
	v8 =	vld [tilespmem:s21+$0xFFFFFFB0];
	_ =	sdelay $0x4  }
0x87: {  	[tilespmem:v9+s14+$0x0] =	vst.idx.msk $0xffff, v8  }
0x88: {  	v9 =	vor.u32 v3, v10;
	v8 =	vld [tilespmem:s21+$0xFFFFFFC0];
	_ =	sdelay $0x4  }
0x89: {  	[tilespmem:v9+s14+$0x0] =	vst.idx.msk $0xffff, v8  }
0x8a: {  	v9 =	vor.u32 v4, v10;
	v8 =	vld [tilespmem:s21+$0xFFFFFFD0];
	_ =	sdelay $0x4  }
0x8b: {  	[tilespmem:v9+s14+$0x0] =	vst.idx.msk $0xffff, v8  }
0x8c: {  	v9 =	vor.u32 v5, v10;
	v8 =	vld [tilespmem:s21+$0xFFFFFFE0];
	_ =	sdelay $0x4  }
0x8d: {  	[tilespmem:v9+s14+$0x0] =	vst.idx.msk $0xffff, v8  }
0x8e: {  	v9 =	vor.u32 v6, v10;
	v8 =	vld [tilespmem:s21+$0xFFFFFFF0];
	_ =	sdelay $0x3  }
.Ltmp8:
0x8f: {  	(pc) =	sbr.rel @p0 .LBB2_10-.Ltmp8, $3  }
0x90: {  	[tilespmem:v9+s14+$0x0] =	vst.idx.msk $0xffff, v8  }
0x91: {  	v9 =	vor.u32 v7, v10;
	v8 =	vld [tilespmem:s21+$0x0];
	_ =	sdelay $0x1  }
0x92: {  	v10 =	vmov s22;
	s22 =	sadd.s32 $0x2, s22  }
0x93: {  	_ =	sdelay $0x1  }
0x94: {  	v11 =	vshll.u32 v10, $0x8;
	v56 =	vshll.u32 v10, $0x7  }
0x95: {  	v11 =	vand.u32 $0x7800, v11;
	v10 =	vand.u32 $0x380, v56  }
0x96: {  	s21 =	sadd.s32 $0x80, s21;
	v10 =	vor.u32 v10, v11;
	[tilespmem:v9+s14+$0x0] =	vst.idx.msk $0xffff, v8  }
0x97: {  	v8 =	vld [tilespmem:s21+$0xFFFFFFA0];
	v57 =	vor.u32 v1, v10;
	_ =	sdelay $0x4  }
0x98: {  	[tilespmem:v57+s14+$0x0] =	vst.idx.msk $0xffff, v8  }
0x99: {  	v58 =	vor.u32 v2, v10;
	v8 =	vld [tilespmem:s21+$0xFFFFFFB0];
	_ =	sdelay $0x4  }
0x9a: {  	[tilespmem:v58+s14+$0x0] =	vst.idx.msk $0xffff, v8  }
0x9b: {  	v59 =	vor.u32 v3, v10;
	v8 =	vld [tilespmem:s21+$0xFFFFFFC0];
	_ =	sdelay $0x4  }
0x9c: {  	[tilespmem:v59+s14+$0x0] =	vst.idx.msk $0xffff, v8  }
0x9d: {  	v60 =	vor.u32 v4, v10;
	v8 =	vld [tilespmem:s21+$0xFFFFFFD0];
	_ =	sdelay $0x4  }
0x9e: {  	[tilespmem:v60+s14+$0x0] =	vst.idx.msk $0xffff, v8  }
0x9f: {  	v61 =	vor.u32 v5, v10;
	v8 =	vld [tilespmem:s21+$0xFFFFFFE0];
	_ =	sdelay $0x4  }
0xa0: {  	[tilespmem:v61+s14+$0x0] =	vst.idx.msk $0xffff, v8  }
0xa1: {  	v62 =	vor.u32 v6, v10;
	v8 =	vld [tilespmem:s21+$0xFFFFFFF0];
	_ =	sdelay $0x4  }
0xa2: {  	[tilespmem:v62+s14+$0x0] =	vst.idx.msk $0xffff, v8  }
0xa3: {  	v63 =	vor.u32 v7, v10;
	v8 =	vld [tilespmem:s21+$0x0];
	_ =	sdelay $0x3  }
0xa4: {  	p0 =	sgt.u32 s17, $0x2D  }
0xa5: {  	s20 =	sadd.s32 $0xE00, s20;
	s21 =	smul.u32 @!p0 $0x3800, s18;
	[tilespmem:v63+s14+$0x0] =	vst.idx.msk $0xffff, v8  }
0xa6: {  	[hbm4b:s20+s4] =	stream.linear.scatter [tilespmem:s14], [sflag:$0x4], $0x7000, $0x38;
	[tilespmem:$0x15000] =	vst v63  }
0xa7: {  	s20 =	sshrl.u32 @!p0 s21, $0x3  }
0xa8: {  	s20 =	sadd.s32 @!p0 s2, s20  }
0xa9: {  	s21 =	simm.s32 @!p0 $0x0;
	s20 =	sadd.s32 @!p0 $0xE00, s20  }
0xaa: {  	[tilespmem:s21], [sflag:$0x1] =	stream.linear.gather @!p0 [hbm4b:s20+s21], $0x3800, $0x38;
	[tilespmem:$0x15000] =	vst v63  }
0xab: {  	p0 =	seq.s32 s19, $0x0  }
.Ltmp9:
0xac: {  	_ = 	snop;
	(pc) =	sbr.rel @p0 .LBB2_17-.Ltmp9, $1  }
0xad: {  	_ =	sdelay $0x3  }
.LBB2_12:
0xae: {  	_ =	swait.ge [sflag:s10], $0x3800  }
0xaf: {  	s19 =	simm.s32 $0x1;
	[sflag:s10] =	ssyncset.done $0x0  }
0xb0: {  	v8 =	vmov s19;
	[sflag:s10] =	ssyncadd.s32 $0xFFFFC800  }
0xb1: {  	v9 =	vshll.u32 v8, $0x8;
	v8 =	vshll.u32 v8, $0x7;
	_ =	swait.ge [sflag:s11], $0x7000  }
0xb2: {  	v9 =	vand.u32 $0x7800, v9;
	v8 =	vand.u32 $0x380, v8;
	[sflag:s11] =	ssyncset.done $0x0  }
0xb3: {  	s19 =	simm.s32 $0x3830;
	v9 =	vor.u32 v8, v9;
	[sflag:s11] =	ssyncadd.s32 $0xFFFF9000  }
0xb4: {  	v10 =	vor.u32 v1, v9;
	v8 =	vld [tilespmem:s19+$0xFFFFFFD0];
	_ =	sdelay $0x4  }
0xb5: {  	[tilespmem:v10+s12+$0x0] =	vst.idx.msk $0xffff, v8  }
0xb6: {  	v10 =	vor.u32 v2, v9;
	v8 =	vld [tilespmem:s19+$0xFFFFFFE0];
	_ =	sdelay $0x4  }
0xb7: {  	[tilespmem:v10+s12+$0x0] =	vst.idx.msk $0xffff, v8  }
0xb8: {  	v10 =	vor.u32 v3, v9;
	v8 =	vld [tilespmem:s19+$0xFFFFFFF0];
	_ =	sdelay $0x4  }
0xb9: {  	[tilespmem:v10+s12+$0x0] =	vst.idx.msk $0xffff, v8  }
0xba: {  	v10 =	vor.u32 v4, v9;
	v8 =	vld [tilespmem:s19+$0x0];
	_ =	sdelay $0x4  }
0xbb: {  	[tilespmem:v10+s12+$0x0] =	vst.idx.msk $0xffff, v8  }
0xbc: {  	v10 =	vor.u32 v5, v9;
	v8 =	vld [tilespmem:s19+$0x10];
	_ =	sdelay $0x4  }
0xbd: {  	[tilespmem:v10+s12+$0x0] =	vst.idx.msk $0xffff, v8  }
0xbe: {  	v10 =	vor.u32 v6, v9;
	v8 =	vld [tilespmem:s19+$0x20];
	_ =	sdelay $0x4  }
0xbf: {  	[tilespmem:v10+s12+$0x0] =	vst.idx.msk $0xffff, v8  }
0xc0: {  	v9 =	vor.u32 v7, v9;
	v8 =	vld [tilespmem:s19+$0x30]  }
0xc1: {  	s20 =	simm.s32 $0x3  }
0xc2: {  	v10 =	vmov s20;
	s20 =	simm.s32 $0x5  }
.LBB2_13:
0xc3: {  	p0 =	sne.s32 s20, $0x6F;
	v11 =	vshll.u32 v10, $0x8;
	v10 =	vshll.u32 v10, $0x7  }
0xc4: {  	v11 =	vand.u32 $0x7800, v11;
	v10 =	vand.u32 $0x380, v10  }
0xc5: {  	s19 =	sadd.s32 $0x80, s19;
	v10 =	vor.u32 v10, v11;
	[tilespmem:v9+s12+$0x0] =	vst.idx.msk $0xffff, v8  }
0xc6: {  	v8 =	vld [tilespmem:s19+$0xFFFFFFD0];
	v9 =	vor.u32 v1, v10;
	_ =	sdelay $0x4  }
0xc7: {  	[tilespmem:v9+s12+$0x0] =	vst.idx.msk $0xffff, v8  }
0xc8: {  	v9 =	vor.u32 v2, v10;
	v8 =	vld [tilespmem:s19+$0xFFFFFFE0];
	_ =	sdelay $0x4  }
0xc9: {  	[tilespmem:v9+s12+$0x0] =	vst.idx.msk $0xffff, v8  }
0xca: {  	v9 =	vor.u32 v3, v10;
	v8 =	vld [tilespmem:s19+$0xFFFFFFF0];
	_ =	sdelay $0x4  }
0xcb: {  	[tilespmem:v9+s12+$0x0] =	vst.idx.msk $0xffff, v8  }
0xcc: {  	v9 =	vor.u32 v4, v10;
	v8 =	vld [tilespmem:s19+$0x0];
	_ =	sdelay $0x4  }
0xcd: {  	[tilespmem:v9+s12+$0x0] =	vst.idx.msk $0xffff, v8  }
0xce: {  	v9 =	vor.u32 v5, v10;
	v8 =	vld [tilespmem:s19+$0x10];
	_ =	sdelay $0x4  }
0xcf: {  	[tilespmem:v9+s12+$0x0] =	vst.idx.msk $0xffff, v8  }
0xd0: {  	v9 =	vor.u32 v6, v10;
	v8 =	vld [tilespmem:s19+$0x20];
	_ =	sdelay $0x3  }
.Ltmp10:
0xd1: {  	(pc) =	sbr.rel @p0 .LBB2_13-.Ltmp10, $3  }
0xd2: {  	[tilespmem:v9+s12+$0x0] =	vst.idx.msk $0xffff, v8  }
0xd3: {  	v9 =	vor.u32 v7, v10;
	v8 =	vld [tilespmem:s19+$0x30];
	_ =	sdelay $0x1  }
0xd4: {  	v10 =	vmov s20;
	s20 =	sadd.s32 $0x2, s20  }
0xd5: {  	_ =	sdelay $0x1  }
0xd6: {  	v11 =	vshll.u32 v10, $0x8;
	v10 =	vshll.u32 v10, $0x7  }
0xd7: {  	v11 =	vand.u32 $0x7800, v11;
	v10 =	vand.u32 $0x380, v10  }
0xd8: {  	s19 =	sadd.s32 $0x80, s19;
	v10 =	vor.u32 v10, v11;
	[tilespmem:v9+s12+$0x0] =	vst.idx.msk $0xffff, v8  }
0xd9: {  	v8 =	vld [tilespmem:s19+$0xFFFFFFD0];
	v9 =	vor.u32 v1, v10;
	_ =	sdelay $0x4  }
0xda: {  	[tilespmem:v9+s12+$0x0] =	vst.idx.msk $0xffff, v8  }
0xdb: {  	v9 =	vor.u32 v2, v10;
	v8 =	vld [tilespmem:s19+$0xFFFFFFE0];
	_ =	sdelay $0x4  }
0xdc: {  	[tilespmem:v9+s12+$0x0] =	vst.idx.msk $0xffff, v8  }
0xdd: {  	v9 =	vor.u32 v3, v10;
	v8 =	vld [tilespmem:s19+$0xFFFFFFF0];
	_ =	sdelay $0x4  }
0xde: {  	[tilespmem:v9+s12+$0x0] =	vst.idx.msk $0xffff, v8  }
0xdf: {  	v9 =	vor.u32 v4, v10;
	v8 =	vld [tilespmem:s19+$0x0];
	_ =	sdelay $0x4  }
0xe0: {  	[tilespmem:v9+s12+$0x0] =	vst.idx.msk $0xffff, v8  }
0xe1: {  	v9 =	vor.u32 v5, v10;
	v8 =	vld [tilespmem:s19+$0x10];
	_ =	sdelay $0x4  }
0xe2: {  	[tilespmem:v9+s12+$0x0] =	vst.idx.msk $0xffff, v8  }
0xe3: {  	v9 =	vor.u32 v6, v10;
	v8 =	vld [tilespmem:s19+$0x20];
	_ =	sdelay $0x4  }
0xe4: {  	[tilespmem:v9+s12+$0x0] =	vst.idx.msk $0xffff, v8  }
0xe5: {  	v9 =	vor.u32 v7, v10;
	v8 =	vld [tilespmem:s19+$0x30];
	_ =	sdelay $0x1  }
0xe6: {  	s31 =	smul.u32 $0xE000, s18;
	_ =	sdelay $0x1  }
0xe7: {  	s19 =	sshrl.u32 s31, $0x3  }
0xe8: {  	s20 =	simm.s32 $0x1;
	s19 =	sadd.s32 s3, s19;
	[tilespmem:v9+s12+$0x0] =	vst.idx.msk $0xffff, v8  }
0xe9: {  	v8 =	vmov s20;
	[hbm4b:s19+s4] =	stream.linear.scatter [tilespmem:s12], [sflag:$0x3], $0x7000, $0x38;
	[tilespmem:$0x15000] =	vst v63  }
0xea: {  	v9 =	vshll.u32 v8, $0x8;
	v8 =	vshll.u32 v8, $0x7;
	_ =	swait.ge [sflag:s13], $0x7000  }
0xeb: {  	v9 =	vand.u32 $0x7800, v9;
	v8 =	vand.u32 $0x380, v8;
	[sflag:s13] =	ssyncset.done $0x0  }
0xec: {  	s20 =	simm.s32 $0x5460;
	v9 =	vor.u32 v8, v9;
	[sflag:s13] =	ssyncadd.s32 $0xFFFF9000  }
0xed: {  	v10 =	vor.u32 v1, v9;
	v8 =	vld [tilespmem:s20+$0xFFFFFFA0];
	_ =	sdelay $0x4  }
0xee: {  	[tilespmem:v10+s14+$0x0] =	vst.idx.msk $0xffff, v8  }
0xef: {  	v10 =	vor.u32 v2, v9;
	v8 =	vld [tilespmem:s20+$0xFFFFFFB0];
	_ =	sdelay $0x4  }
0xf0: {  	[tilespmem:v10+s14+$0x0] =	vst.idx.msk $0xffff, v8  }
0xf1: {  	v10 =	vor.u32 v3, v9;
	v8 =	vld [tilespmem:s20+$0xFFFFFFC0];
	_ =	sdelay $0x4  }
0xf2: {  	[tilespmem:v10+s14+$0x0] =	vst.idx.msk $0xffff, v8  }
0xf3: {  	v10 =	vor.u32 v4, v9;
	v8 =	vld [tilespmem:s20+$0xFFFFFFD0];
	_ =	sdelay $0x4  }
0xf4: {  	[tilespmem:v10+s14+$0x0] =	vst.idx.msk $0xffff, v8  }
0xf5: {  	v10 =	vor.u32 v5, v9;
	v8 =	vld [tilespmem:s20+$0xFFFFFFE0];
	_ =	sdelay $0x4  }
0xf6: {  	[tilespmem:v10+s14+$0x0] =	vst.idx.msk $0xffff, v8  }
0xf7: {  	v10 =	vor.u32 v6, v9;
	v8 =	vld [tilespmem:s20+$0xFFFFFFF0];
	_ =	sdelay $0x4  }
0xf8: {  	[tilespmem:v10+s14+$0x0] =	vst.idx.msk $0xffff, v8  }
0xf9: {  	v9 =	vor.u32 v7, v9;
	v8 =	vld [tilespmem:s20+$0x0]  }
0xfa: {  	s21 =	simm.s32 $0x3  }
0xfb: {  	v10 =	vmov s21;
	s21 =	simm.s32 $0x5  }
.LBB2_15:
0xfc: {  	p0 =	sne.s32 s21, $0x6F;
	v11 =	vshll.u32 v10, $0x8;
	v10 =	vshll.u32 v10, $0x7  }
0xfd: {  	v11 =	vand.u32 $0x7800, v11;
	v10 =	vand.u32 $0x380, v10  }
0xfe: {  	s20 =	sadd.s32 $0x80, s20;
	v10 =	vor.u32 v10, v11;
	[tilespmem:v9+s14+$0x0] =	vst.idx.msk $0xffff, v8  }
0xff: {  	v8 =	vld [tilespmem:s20+$0xFFFFFFA0];
	v9 =	vor.u32 v1, v10;
	_ =	sdelay $0x4  }
0x100: {  	[tilespmem:v9+s14+$0x0] =	vst.idx.msk $0xffff, v8  }
0x101: {  	v9 =	vor.u32 v2, v10;
	v8 =	vld [tilespmem:s20+$0xFFFFFFB0];
	_ =	sdelay $0x4  }
0x102: {  	[tilespmem:v9+s14+$0x0] =	vst.idx.msk $0xffff, v8  }
0x103: {  	v9 =	vor.u32 v3, v10;
	v8 =	vld [tilespmem:s20+$0xFFFFFFC0];
	_ =	sdelay $0x4  }
0x104: {  	[tilespmem:v9+s14+$0x0] =	vst.idx.msk $0xffff, v8  }
0x105: {  	v9 =	vor.u32 v4, v10;
	v8 =	vld [tilespmem:s20+$0xFFFFFFD0];
	_ =	sdelay $0x4  }
0x106: {  	[tilespmem:v9+s14+$0x0] =	vst.idx.msk $0xffff, v8  }
0x107: {  	v9 =	vor.u32 v5, v10;
	v8 =	vld [tilespmem:s20+$0xFFFFFFE0];
	_ =	sdelay $0x4  }
0x108: {  	[tilespmem:v9+s14+$0x0] =	vst.idx.msk $0xffff, v8  }
0x109: {  	v9 =	vor.u32 v6, v10;
	v8 =	vld [tilespmem:s20+$0xFFFFFFF0];
	_ =	sdelay $0x3  }
.Ltmp11:
0x10a: {  	(pc) =	sbr.rel @p0 .LBB2_15-.Ltmp11, $3  }
0x10b: {  	[tilespmem:v9+s14+$0x0] =	vst.idx.msk $0xffff, v8  }
0x10c: {  	v9 =	vor.u32 v7, v10;
	v8 =	vld [tilespmem:s20+$0x0];
	_ =	sdelay $0x1  }
0x10d: {  	v10 =	vmov s21;
	s21 =	sadd.s32 $0x2, s21  }
0x10e: {  	_ =	sdelay $0x1  }
0x10f: {  	v11 =	vshll.u32 v10, $0x8;
	v56 =	vshll.u32 v10, $0x7  }
0x110: {  	v11 =	vand.u32 $0x7800, v11;
	v10 =	vand.u32 $0x380, v56  }
0x111: {  	s20 =	sadd.s32 $0x80, s20;
	v10 =	vor.u32 v10, v11;
	[tilespmem:v9+s14+$0x0] =	vst.idx.msk $0xffff, v8  }
0x112: {  	v8 =	vld [tilespmem:s20+$0xFFFFFFA0];
	v57 =	vor.u32 v1, v10;
	_ =	sdelay $0x4  }
0x113: {  	[tilespmem:v57+s14+$0x0] =	vst.idx.msk $0xffff, v8  }
0x114: {  	v58 =	vor.u32 v2, v10;
	v8 =	vld [tilespmem:s20+$0xFFFFFFB0];
	_ =	sdelay $0x4  }
0x115: {  	[tilespmem:v58+s14+$0x0] =	vst.idx.msk $0xffff, v8  }
0x116: {  	v59 =	vor.u32 v3, v10;
	v8 =	vld [tilespmem:s20+$0xFFFFFFC0];
	_ =	sdelay $0x4  }
0x117: {  	[tilespmem:v59+s14+$0x0] =	vst.idx.msk $0xffff, v8  }
0x118: {  	v60 =	vor.u32 v4, v10;
	v8 =	vld [tilespmem:s20+$0xFFFFFFD0];
	_ =	sdelay $0x4  }
0x119: {  	[tilespmem:v60+s14+$0x0] =	vst.idx.msk $0xffff, v8  }
0x11a: {  	v61 =	vor.u32 v5, v10;
	v8 =	vld [tilespmem:s20+$0xFFFFFFE0];
	_ =	sdelay $0x4  }
0x11b: {  	[tilespmem:v61+s14+$0x0] =	vst.idx.msk $0xffff, v8  }
0x11c: {  	v62 =	vor.u32 v6, v10;
	v8 =	vld [tilespmem:s20+$0xFFFFFFF0];
	_ =	sdelay $0x4  }
0x11d: {  	[tilespmem:v62+s14+$0x0] =	vst.idx.msk $0xffff, v8  }
0x11e: {  	v63 =	vor.u32 v7, v10;
	v8 =	vld [tilespmem:s20+$0x0]  }
0x11f: {  	p0 =	sgt.u32 s17, $0x2D  }
0x120: {  	s18 =	smul.u32 @!p0 $0x3800, s18;
	_ =	sdelay $0x1  }
.Ltmp12:
0x121: {  	s18 =	sshrl.u32 @!p0 s18, $0x3;
	(pc) =	sbr.rel .LBB2_17-.Ltmp12, $4  }
0x122: {  	s19 =	sadd.s32 $0xE00, s19;
	s18 =	sadd.s32 @!p0 s2, s18;
	[tilespmem:v63+s14+$0x0] =	vst.idx.msk $0xffff, v8  }
0x123: {  	[hbm4b:s19+s4] =	stream.linear.scatter [tilespmem:s14], [sflag:$0x4], $0x7000, $0x38;
	[tilespmem:$0x15000] =	vst v63  }
0x124: {  	s18 =	sadd.s32 @!p0 $0xE00, s18;
	s20 =	simm.s32 @!p0 $0x3800;
	s19 =	simm.s32 @!p0 $0x0  }
0x125: {  	[tilespmem:s20], [sflag:$0x2] =	stream.linear.gather @!p0 [hbm4b:s18+s19], $0x3800, $0x38;
	[tilespmem:$0x15000] =	vst v63  }
.LBB2_19:
0x126: {  	_ =	sfence.sel $0x180000  }
0x127: {  	[bflag:$0x0] =	sbarrier.arrive $0xFFFF  }
0x128: {  	p0 =	sne.s32 s0, $0x0;
	_ =	strace $0x90000047  }
0x129: {  	s0 =	sadd.s32 @!p0 $0x100000, s1;
	[bflag:$0x2] =	sbarrier.arrive $0xFFFF  }
0x12a: {  	[sflag:s0] =	ssyncadd.tile.s32 @!p0 $0x1;
	_ =	shalt  }
.Lfunc_end2:
_tile_overlayer_lowered:
.L_overlay_start_2:
0x12b: {  	(tag) =	ssettag $0x2  }
0x12c: {  	s0 =	rddreg [dreg:$0x0];
	s2 =	stileid.u32  }
0x12d: {  	s1 =	rddreg [dreg:$0x1];
	p0 =	sne.s32 s2, $0x0  }
0x12e: {  	s3 =	rddreg [dreg:$0x2];
	[bflag:$0x3] =	sbarrier.arrive $0xFFFF;
	s2 =	simm.s32 @!p0 $0x1C05  }
0x12f: {  	[timem:s3], [sflag:s2] =	dma.local @!p0 [hbm:s0], s1  }
0x130: {  	s0 =	simm.s32 @!p0 $0x5  }
0x131: {  	_ =	swait.ge @!p0 [sflag:s0], s1  }
0x132: {  	s1 =	ssub.s32 @!p0 $0x0, s1;
	[sflag:s0] =	ssyncset.done @!p0 $0x0  }
0x133: {  	[sflag:s0] =	ssyncadd.s32 @!p0 s1  }
0x134: {  	[bflag:$0x3] =	sbarrier.arrive $0xFFFF  }
0x135: {  	_ =	shalt  }

</sc_bundles>
